<compile_context>
chip_gen: v7x
topology: tpu7x:2x2x1
jax: 0.10.2.dev20260603
libtpu: 0.0.44.dev20260713+nightly
codegen_flags: <defaults>
</compile_context>

<pallas_src>
import functools

import jax
import jax.numpy as jnp
from jax import lax
from jax.experimental import pallas as pl
from jax.experimental.pallas import tpu as pltpu
from jax.experimental.pallas import tpu_sc as plsc

EPS = 1e-12
NUM_CORES = 2
NUM_SUBCORES = 16
NUM_WORKERS = NUM_CORES * NUM_SUBCORES
LANES = 16
IDX_MINOR = 128


def _tc_normalize_table(table):
    v, d = table.shape
    block = 2000
    assert v % block == 0

    def body(t_ref, o_ref):
        x = t_ref[...]
        ss = jnp.sum(x * x, axis=1, keepdims=True)
        y = (x + EPS) / (jnp.sqrt(ss) + EPS)
        o_ref[...] = jnp.concatenate([y, jnp.zeros_like(y)], axis=1)

    return pl.pallas_call(
        body,
        grid=(v // block,),
        in_specs=[pl.BlockSpec((block, d), lambda i: (i, 0))],
        out_specs=pl.BlockSpec((block, 2 * d), lambda i: (i, 0)),
        out_shape=jax.ShapeDtypeStruct((v, 2 * d), jnp.float32),
    )(table)


@functools.partial(jax.jit, static_argnames=("n_rows", "d", "chunk"))
def _sc_gather_scale(table_p, genes_flat, scales_flat, n_rows, d, chunk):
    rows_per_worker = n_rows // NUM_WORKERS
    n_chunks = rows_per_worker // chunk
    idx_rows = chunk // IDX_MINOR
    dp = table_p.shape[1]

    mesh = plsc.VectorSubcoreMesh(core_axis_name="c", subcore_axis_name="s")

    @functools.partial(
        pl.kernel,
        mesh=mesh,
        out_type=jax.ShapeDtypeStruct((n_rows, d), jnp.float32),
        scratch_types=[
            pltpu.VMEM((chunk,), jnp.int32),
            pltpu.VMEM((chunk, dp), jnp.float32),
            pltpu.VMEM((chunk, d), jnp.float32),
            pltpu.VMEM((chunk,), jnp.float32),
            pltpu.SemaphoreType.DMA,
        ],
    )
    def k(table_hbm, genes_hbm, scales_hbm, out_hbm,
          idx_v, rows_v, out_v, scl_v, sem):
        wid = lax.axis_index("s") * NUM_CORES + lax.axis_index("c")
        base = wid * rows_per_worker

        def chunk_body(c, carry):
            off = pl.multiple_of(base + c * chunk, chunk)
            pltpu.sync_copy(genes_hbm.at[pl.ds(off, chunk)], idx_v)
            pltpu.sync_copy(scales_hbm.at[pl.ds(off, chunk)], scl_v)
            copies = [
                pltpu.async_copy(
                    table_hbm.at[idx_v.at[pl.ds(j * IDX_MINOR, IDX_MINOR)]],
                    rows_v.at[pl.ds(j * IDX_MINOR, IDX_MINOR)],
                    sem,
                )
                for j in range(idx_rows)
            ]
            for cp in copies:
                cp.wait()

            def group_body(g, carry2):
                row0 = pl.multiple_of(g * LANES, LANES)
                scl16 = scl_v[pl.ds(row0, LANES)]
                for r in range(LANES):
                    s = scl16[r]
                    for q in range(d // LANES):
                        sl = pl.ds(q * LANES, LANES)
                        out_v[row0 + r, sl] = rows_v[row0 + r, sl] * s
                return carry2

            lax.fori_loop(0, chunk // LANES, group_body, 0)
            pltpu.sync_copy(out_v, out_hbm.at[pl.ds(off, chunk)])
            return carry

        lax.fori_loop(0, n_chunks, chunk_body, 0)

    return k(table_p, genes_flat, scales_flat)


def kernel(genes, scales, table):
    b, l = genes.shape
    v, d = table.shape
    n_rows = b * l
    table_p = _tc_normalize_table(table.astype(jnp.float32))
    genes_flat = genes.reshape(-1).astype(jnp.int32)
    scales_flat = scales.reshape(-1).astype(jnp.float32)
    out = _sc_gather_scale(table_p, genes_flat, scales_flat, n_rows, d, 256)
    return out.reshape(b, l, d)

# --- scband reference (transcript-rebuilt; emitter-appended) ---
"""Pipeline reference for scband-gene-embedding-3066606649954 (READ-ONLY COPY).

The authoritative reference and input builder live on the scoring server;
editing this copy changes nothing except your own understanding.
"""

import jax, jax.numpy as jnp
import numpy as np

VOCAB = 100000
EMBED = 64
B = 4096
L = 200
EPS = 1e-12

def setup_inputs(seed: int = 0) -> dict:
    key = jax.random.key(seed)
    k1, k2, k3 = jax.random.split(key, 3)
    genes = jax.random.randint(k1, (B, L), 0, VOCAB, dtype=jnp.int64) if jax.config.jax_enable_x64 else jax.random.randint(k1, (B, L), 0, VOCAB, dtype=jnp.int32)
    scales = jax.random.uniform(k2, (B, L), dtype=jnp.float32)
    table = jax.random.normal(k3, (VOCAB, EMBED), dtype=jnp.float32)
    return {"genes": genes, "scales": scales, "table": table}

def reference(genes, scales, table):
    # embedding lookup
    x = jnp.take(table, genes, axis=0)  # [B, L, D]
    # unit: (x + eps) / (||x||_2 along dim=2 + eps)
    norm = jnp.linalg.norm(x, axis=2, keepdims=True)  # [B, L, 1]
    x = (x + EPS) / (norm + EPS)
    # scale
    x = x * scales[..., None]
    return x

if __name__ == "__main__":
    import jax
    _d = setup_inputs()
    print(jax.jit(kernel)(*tuple(_d.values())))

</pallas_src>

<mosaic_0001>
#map = affine_map<(d0, d1) -> (0, 0)>
#map1 = affine_map<(d0, d1) -> (0)>
module attributes {stable_mosaic.version = 14 : i64} {
  func.func @k(%arg0: i32, %arg1: i32, %arg2: memref<100000x128xf32, #tpu.memory_space<hbm>>, %arg3: memref<819200xi32, #tpu.memory_space<hbm>>, %arg4: memref<819200xf32, #tpu.memory_space<hbm>>, %arg5: memref<819200x64xf32, #tpu.memory_space<hbm>>, %arg6: memref<256xi32, #tpu.memory_space<vmem>>, %arg7: memref<256x128xf32, #tpu.memory_space<vmem>>, %arg8: memref<256x64xf32, #tpu.memory_space<vmem>>, %arg9: memref<256xf32, #tpu.memory_space<vmem>>, %arg10: memref<!tpu.dma_semaphore, #tpu.memory_space<semaphore_mem>>) attributes {dimension_semantics = [#tpu.dimension_semantics<core_parallel>, #tpu.dimension_semantics<subcore_parallel>], iteration_bounds = array<i64: 2, 16>, scalar_prefetch = 0 : i64, scratch_operands = 5 : i64, tpu.core_type = #tpu.core_type<sc_vector_subcore>, window_params = [{transform_indices = #map}, {transform_indices = #map1}, {transform_indices = #map1}, {transform_indices = #map}]} {
    %mul3A = arith.constant 2 : i32
    %mul3A_0 = arith.muli %arg1, %mul3A : i32
    %add3A = arith.addi %mul3A_0, %arg0 : i32
    %mul3A_1 = arith.constant 25600 : i32
    %mul3A_2 = arith.muli %add3A, %mul3A_1 : i32
    %scan3A = arith.constant 0 : i32
    %scan3A_3 = arith.constant 0 : i32
    %scan3A_4 = arith.constant 100 : i32
    %scan3A_5 = arith.addi %scan3A_3, %scan3A_4 : i32
    %scan3A_6 = arith.constant 1 : i32
    scf.for %scan3A_8 = %scan3A_3 to %scan3A_5 step %scan3A_6  : i32 {
      %mul3A_9 = arith.constant 256 : i32
      %mul3A_10 = arith.muli %scan3A_8, %mul3A_9 : i32
      %add3A_11 = arith.addi %mul3A_2, %mul3A_10 : i32
      %multiple_of3A = tpu.assume_multiple %add3A_11, 256 : i32
      "tpu.region"() ({
        %run_scoped3A = tpu.sem_alloc : memref<!tpu.dma_semaphore, #tpu.memory_space<semaphore_mem>>
        %dma_start3A_48 = tpu.memref_slice %arg3[%multiple_of3A] : memref<819200xi32, #tpu.memory_space<hbm>> -> memref<256xi32, #tpu.memory_space<hbm>>
        %dma_start3A_49 = tpu.memref_slice %arg3[%multiple_of3A] : memref<819200xi32, #tpu.memory_space<hbm>> -> memref<256xi32, #tpu.memory_space<hbm>>
        tpu.enqueue_dma source(%dma_start3A_49 : memref<256xi32, #tpu.memory_space<hbm>>) target(%arg6 : memref<256xi32, #tpu.memory_space<vmem>>) target_semaphore(%run_scoped3A : memref<!tpu.dma_semaphore, #tpu.memory_space<semaphore_mem>>)
        %dma_wait3A_50 = tpu.memref_slice %arg3[%multiple_of3A] : memref<819200xi32, #tpu.memory_space<hbm>> -> memref<256xi32, #tpu.memory_space<hbm>>
        %dma_wait3A_51 = tpu.memref_slice %arg3[%multiple_of3A] : memref<819200xi32, #tpu.memory_space<hbm>> -> memref<256xi32, #tpu.memory_space<hbm>>
        tpu.wait_dma2 semaphore(%run_scoped3A : memref<!tpu.dma_semaphore, #tpu.memory_space<semaphore_mem>>) src(%dma_wait3A_51 : memref<256xi32, #tpu.memory_space<hbm>>) dst(%arg6 : memref<256xi32, #tpu.memory_space<vmem>>)
        tpu.yield
      }) : () -> ()
      "tpu.region"() ({
        %run_scoped3A = tpu.sem_alloc : memref<!tpu.dma_semaphore, #tpu.memory_space<semaphore_mem>>
        %dma_start3A_48 = tpu.memref_slice %arg4[%multiple_of3A] : memref<819200xf32, #tpu.memory_space<hbm>> -> memref<256xf32, #tpu.memory_space<hbm>>
        %dma_start3A_49 = tpu.memref_slice %arg4[%multiple_of3A] : memref<819200xf32, #tpu.memory_space<hbm>> -> memref<256xf32, #tpu.memory_space<hbm>>
        tpu.enqueue_dma source(%dma_start3A_49 : memref<256xf32, #tpu.memory_space<hbm>>) target(%arg9 : memref<256xf32, #tpu.memory_space<vmem>>) target_semaphore(%run_scoped3A : memref<!tpu.dma_semaphore, #tpu.memory_space<semaphore_mem>>)
        %dma_wait3A_50 = tpu.memref_slice %arg4[%multiple_of3A] : memref<819200xf32, #tpu.memory_space<hbm>> -> memref<256xf32, #tpu.memory_space<hbm>>
        %dma_wait3A_51 = tpu.memref_slice %arg4[%multiple_of3A] : memref<819200xf32, #tpu.memory_space<hbm>> -> memref<256xf32, #tpu.memory_space<hbm>>
        tpu.wait_dma2 semaphore(%run_scoped3A : memref<!tpu.dma_semaphore, #tpu.memory_space<semaphore_mem>>) src(%dma_wait3A_51 : memref<256xf32, #tpu.memory_space<hbm>>) dst(%arg9 : memref<256xf32, #tpu.memory_space<vmem>>)
        tpu.yield
      }) : () -> ()
      %dma_start3A = arith.constant 0 : i32
      %dma_start3A_12 = arith.constant 0 : i32
      %dma_start3A_13 = tpu.memref_slice %arg7[%dma_start3A, %dma_start3A_12] : memref<256x128xf32, #tpu.memory_space<vmem>> -> memref<128x128xf32, #tpu.memory_space<vmem>>
      %dma_start3A_14 = arith.constant 0 : i32
      %dma_start3A_15 = tpu.memref_slice %arg6[%dma_start3A_14] : memref<256xi32, #tpu.memory_space<vmem>> -> memref<128xi32, #tpu.memory_space<vmem>>
      %dma_start3A_16 = arith.constant 0 : i32
      %dma_start3A_17 = arith.constant 0 : i32
      %dma_start3A_18 = tpu.memref_slice %arg2[%dma_start3A_16, %dma_start3A_17] : memref<100000x128xf32, #tpu.memory_space<hbm>> -> memref<100000x128xf32, #tpu.memory_space<hbm>>
      tpu.enqueue_indirect_dma source(%dma_start3A_18 : memref<100000x128xf32, #tpu.memory_space<hbm>>) target(%dma_start3A_13 : memref<128x128xf32, #tpu.memory_space<vmem>>) offsets(%dma_start3A_15 : memref<128xi32, #tpu.memory_space<vmem>>) semaphore(%arg10 : memref<!tpu.dma_semaphore, #tpu.memory_space<semaphore_mem>>)
      %dma_start3A_19 = arith.constant 128 : i32
      %dma_start3A_20 = arith.constant 0 : i32
      %dma_start3A_21 = tpu.memref_slice %arg7[%dma_start3A_19, %dma_start3A_20] : memref<256x128xf32, #tpu.memory_space<vmem>> -> memref<128x128xf32, #tpu.memory_space<vmem>>
      %dma_start3A_22 = arith.constant 128 : i32
      %dma_start3A_23 = tpu.memref_slice %arg6[%dma_start3A_22] : memref<256xi32, #tpu.memory_space<vmem>> -> memref<128xi32, #tpu.memory_space<vmem>>
      %dma_start3A_24 = arith.constant 0 : i32
      %dma_start3A_25 = arith.constant 0 : i32
      %dma_start3A_26 = tpu.memref_slice %arg2[%dma_start3A_24, %dma_start3A_25] : memref<100000x128xf32, #tpu.memory_space<hbm>> -> memref<100000x128xf32, #tpu.memory_space<hbm>>
      tpu.enqueue_indirect_dma source(%dma_start3A_26 : memref<100000x128xf32, #tpu.memory_space<hbm>>) target(%dma_start3A_21 : memref<128x128xf32, #tpu.memory_space<vmem>>) offsets(%dma_start3A_23 : memref<128xi32, #tpu.memory_space<vmem>>) semaphore(%arg10 : memref<!tpu.dma_semaphore, #tpu.memory_space<semaphore_mem>>)
      %dma_wait3A = arith.constant 0 : i32
      %dma_wait3A_27 = arith.constant 0 : i32
      %dma_wait3A_28 = tpu.memref_slice %arg7[%dma_wait3A, %dma_wait3A_27] : memref<256x128xf32, #tpu.memory_space<vmem>> -> memref<128x128xf32, #tpu.memory_space<vmem>>
      %dma_wait3A_29 = arith.constant 0 : i32
      %dma_wait3A_30 = tpu.memref_slice %arg6[%dma_wait3A_29] : memref<256xi32, #tpu.memory_space<vmem>> -> memref<128xi32, #tpu.memory_space<vmem>>
      %dma_wait3A_31 = arith.constant 0 : i32
      %dma_wait3A_32 = arith.constant 0 : i32
      %dma_wait3A_33 = tpu.memref_slice %arg2[%dma_wait3A_31, %dma_wait3A_32] : memref<100000x128xf32, #tpu.memory_space<hbm>> -> memref<100000x128xf32, #tpu.memory_space<hbm>>
      tpu.wait_indirect_dma semaphore(%arg10 : memref<!tpu.dma_semaphore, #tpu.memory_space<semaphore_mem>>) src(%dma_wait3A_33 : memref<100000x128xf32, #tpu.memory_space<hbm>>) dst(%dma_wait3A_28 : memref<128x128xf32, #tpu.memory_space<vmem>>)
      %dma_wait3A_34 = arith.constant 128 : i32
      %dma_wait3A_35 = arith.constant 0 : i32
      %dma_wait3A_36 = tpu.memref_slice %arg7[%dma_wait3A_34, %dma_wait3A_35] : memref<256x128xf32, #tpu.memory_space<vmem>> -> memref<128x128xf32, #tpu.memory_space<vmem>>
      %dma_wait3A_37 = arith.constant 128 : i32
      %dma_wait3A_38 = tpu.memref_slice %arg6[%dma_wait3A_37] : memref<256xi32, #tpu.memory_space<vmem>> -> memref<128xi32, #tpu.memory_space<vmem>>
      %dma_wait3A_39 = arith.constant 0 : i32
      %dma_wait3A_40 = arith.constant 0 : i32
      %dma_wait3A_41 = tpu.memref_slice %arg2[%dma_wait3A_39, %dma_wait3A_40] : memref<100000x128xf32, #tpu.memory_space<hbm>> -> memref<100000x128xf32, #tpu.memory_space<hbm>>
      tpu.wait_indirect_dma semaphore(%arg10 : memref<!tpu.dma_semaphore, #tpu.memory_space<semaphore_mem>>) src(%dma_wait3A_41 : memref<100000x128xf32, #tpu.memory_space<hbm>>) dst(%dma_wait3A_36 : memref<128x128xf32, #tpu.memory_space<vmem>>)
      %scan3A_42 = arith.constant 0 : i32
      %scan3A_43 = arith.constant 0 : i32
      %scan3A_44 = arith.constant 16 : i32
      %scan3A_45 = arith.addi %scan3A_43, %scan3A_44 : i32
      %scan3A_46 = arith.constant 1 : i32
      scf.for %scan3A_48 = %scan3A_43 to %scan3A_45 step %scan3A_46  : i32 {
        %mul3A_49 = arith.constant 16 : i32
        %mul3A_50 = arith.muli %scan3A_48, %mul3A_49 : i32
        %multiple_of3A_51 = tpu.assume_multiple %mul3A_50, 16 : i32
        %get3A = arith.index_cast %multiple_of3A_51 : i32 to index
        %get3A_52 = tpu.vector_load %arg9[%get3A] {strides = array<i32>} : memref<256xf32, #tpu.memory_space<vmem>>, vector<16xf32>,
        %get3A_53 = vector.shape_cast %get3A_52 : vector<16xf32> to vector<16xf32>
        %slice3A = vector.extract_strided_slice %get3A_53 {offsets = [0], sizes = [1], strides = [1]} : vector<16xf32> to vector<1xf32>
        %squeeze3A = vector.extract %slice3A[0] : f32 from vector<1xf32>
        %add3A_54 = arith.constant 0 : i32
        %add3A_55 = arith.addi %multiple_of3A_51, %add3A_54 : i32
        %get3A_56 = arith.index_cast %add3A_55 : i32 to index
        %get3A_57 = arith.constant 0 : index
        %get3A_58 = tpu.vector_load %arg7[%get3A_56, %get3A_57] {strides = array<i32>} : memref<256x128xf32, #tpu.memory_space<vmem>>, vector<1x16xf32>,
        %get3A_59 = vector.shape_cast %get3A_58 : vector<1x16xf32> to vector<16xf32>
        %mul3A_60 = vector.broadcast %squeeze3A : f32 to vector<16xf32>
        %mul3A_61 = arith.mulf %get3A_59, %mul3A_60 : vector<16xf32>
        %add3A_62 = arith.constant 0 : i32
        %add3A_63 = arith.addi %multiple_of3A_51, %add3A_62 : i32
        %swap3A = arith.index_cast %add3A_63 : i32 to index
        %swap3A_64 = arith.constant 0 : index
        %swap3A_65 = tpu.vector_load %arg8[%swap3A, %swap3A_64] {strides = array<i32>} : memref<256x64xf32, #tpu.memory_space<vmem>>, vector<1x16xf32>,
        %swap3A_66 = vector.shape_cast %swap3A_65 : vector<1x16xf32> to vector<16xf32>
        %swap3A_67 = vector.shape_cast %mul3A_61 : vector<16xf32> to vector<1x16xf32>
        tpu.vector_store %arg8[%swap3A, %swap3A_64], %swap3A_67 {strides = array<i32>} : memref<256x64xf32, #tpu.memory_space<vmem>>, vector<1x16xf32>,
        %add3A_68 = arith.constant 0 : i32
        %add3A_69 = arith.addi %multiple_of3A_51, %add3A_68 : i32
        %get3A_70 = arith.index_cast %add3A_69 : i32 to index
        %get3A_71 = arith.constant 16 : index
        %get3A_72 = tpu.vector_load %arg7[%get3A_70, %get3A_71] {strides = array<i32>} : memref<256x128xf32, #tpu.memory_space<vmem>>, vector<1x16xf32>,
        %get3A_73 = vector.shape_cast %get3A_72 : vector<1x16xf32> to vector<16xf32>
        %mul3A_74 = vector.broadcast %squeeze3A : f32 to vector<16xf32>
        %mul3A_75 = arith.mulf %get3A_73, %mul3A_74 : vector<16xf32>
        %add3A_76 = arith.constant 0 : i32
        %add3A_77 = arith.addi %multiple_of3A_51, %add3A_76 : i32
        %swap3A_78 = arith.index_cast %add3A_77 : i32 to index
        %swap3A_79 = arith.constant 16 : index
        %swap3A_80 = tpu.vector_load %arg8[%swap3A_78, %swap3A_79] {strides = array<i32>} : memref<256x64xf32, #tpu.memory_space<vmem>>, vector<1x16xf32>,
        %swap3A_81 = vector.shape_cast %swap3A_80 : vector<1x16xf32> to vector<16xf32>
        %swap3A_82 = vector.shape_cast %mul3A_75 : vector<16xf32> to vector<1x16xf32>
        tpu.vector_store %arg8[%swap3A_78, %swap3A_79], %swap3A_82 {strides = array<i32>} : memref<256x64xf32, #tpu.memory_space<vmem>>, vector<1x16xf32>,
        %add3A_83 = arith.constant 0 : i32
        %add3A_84 = arith.addi %multiple_of3A_51, %add3A_83 : i32
        %get3A_85 = arith.index_cast %add3A_84 : i32 to index
        %get3A_86 = arith.constant 32 : index
        %get3A_87 = tpu.vector_load %arg7[%get3A_85, %get3A_86] {strides = array<i32>} : memref<256x128xf32, #tpu.memory_space<vmem>>, vector<1x16xf32>,
        %get3A_88 = vector.shape_cast %get3A_87 : vector<1x16xf32> to vector<16xf32>
        %mul3A_89 = vector.broadcast %squeeze3A : f32 to vector<16xf32>
        %mul3A_90 = arith.mulf %get3A_88, %mul3A_89 : vector<16xf32>
        %add3A_91 = arith.constant 0 : i32
        %add3A_92 = arith.addi %multiple_of3A_51, %add3A_91 : i32
        %swap3A_93 = arith.index_cast %add3A_92 : i32 to index
        %swap3A_94 = arith.constant 32 : index
        %swap3A_95 = tpu.vector_load %arg8[%swap3A_93, %swap3A_94] {strides = array<i32>} : memref<256x64xf32, #tpu.memory_space<vmem>>, vector<1x16xf32>,
        %swap3A_96 = vector.shape_cast %swap3A_95 : vector<1x16xf32> to vector<16xf32>
        %swap3A_97 = vector.shape_cast %mul3A_90 : vector<16xf32> to vector<1x16xf32>
        tpu.vector_store %arg8[%swap3A_93, %swap3A_94], %swap3A_97 {strides = array<i32>} : memref<256x64xf32, #tpu.memory_space<vmem>>, vector<1x16xf32>,
        %add3A_98 = arith.constant 0 : i32
        %add3A_99 = arith.addi %multiple_of3A_51, %add3A_98 : i32
        %get3A_100 = arith.index_cast %add3A_99 : i32 to index
        %get3A_101 = arith.constant 48 : index
        %get3A_102 = tpu.vector_load %arg7[%get3A_100, %get3A_101] {strides = array<i32>} : memref<256x128xf32, #tpu.memory_space<vmem>>, vector<1x16xf32>,
        %get3A_103 = vector.shape_cast %get3A_102 : vector<1x16xf32> to vector<16xf32>
        %mul3A_104 = vector.broadcast %squeeze3A : f32 to vector<16xf32>
        %mul3A_105 = arith.mulf %get3A_103, %mul3A_104 : vector<16xf32>
        %add3A_106 = arith.constant 0 : i32
        %add3A_107 = arith.addi %multiple_of3A_51, %add3A_106 : i32
        %swap3A_108 = arith.index_cast %add3A_107 : i32 to index
        %swap3A_109 = arith.constant 48 : index
        %swap3A_110 = tpu.vector_load %arg8[%swap3A_108, %swap3A_109] {strides = array<i32>} : memref<256x64xf32, #tpu.memory_space<vmem>>, vector<1x16xf32>,
        %swap3A_111 = vector.shape_cast %swap3A_110 : vector<1x16xf32> to vector<16xf32>
        %swap3A_112 = vector.shape_cast %mul3A_105 : vector<16xf32> to vector<1x16xf32>
        tpu.vector_store %arg8[%swap3A_108, %swap3A_109], %swap3A_112 {strides = array<i32>} : memref<256x64xf32, #tpu.memory_space<vmem>>, vector<1x16xf32>,
        %slice3A_113 = vector.extract_strided_slice %get3A_53 {offsets = [1], sizes = [1], strides = [1]} : vector<16xf32> to vector<1xf32>
        %squeeze3A_114 = vector.extract %slice3A_113[0] : f32 from vector<1xf32>
        %add3A_115 = arith.constant 1 : i32
        %add3A_116 = arith.addi %multiple_of3A_51, %add3A_115 : i32
        %get3A_117 = arith.index_cast %add3A_116 : i32 to index
        %get3A_118 = arith.constant 0 : index
        %get3A_119 = tpu.vector_load %arg7[%get3A_117, %get3A_118] {strides = array<i32>} : memref<256x128xf32, #tpu.memory_space<vmem>>, vector<1x16xf32>,
        %get3A_120 = vector.shape_cast %get3A_119 : vector<1x16xf32> to vector<16xf32>
        %mul3A_121 = vector.broadcast %squeeze3A_114 : f32 to vector<16xf32>
        %mul3A_122 = arith.mulf %get3A_120, %mul3A_121 : vector<16xf32>
        %add3A_123 = arith.constant 1 : i32
        %add3A_124 = arith.addi %multiple_of3A_51, %add3A_123 : i32
        %swap3A_125 = arith.index_cast %add3A_124 : i32 to index
        %swap3A_126 = arith.constant 0 : index
        %swap3A_127 = tpu.vector_load %arg8[%swap3A_125, %swap3A_126] {strides = array<i32>} : memref<256x64xf32, #tpu.memory_space<vmem>>, vector<1x16xf32>,
        %swap3A_128 = vector.shape_cast %swap3A_127 : vector<1x16xf32> to vector<16xf32>
        %swap3A_129 = vector.shape_cast %mul3A_122 : vector<16xf32> to vector<1x16xf32>
        tpu.vector_store %arg8[%swap3A_125, %swap3A_126], %swap3A_129 {strides = array<i32>} : memref<256x64xf32, #tpu.memory_space<vmem>>, vector<1x16xf32>,
        %add3A_130 = arith.constant 1 : i32
        %add3A_131 = arith.addi %multiple_of3A_51, %add3A_130 : i32
        %get3A_132 = arith.index_cast %add3A_131 : i32 to index
        %get3A_133 = arith.constant 16 : index
        %get3A_134 = tpu.vector_load %arg7[%get3A_132, %get3A_133] {strides = array<i32>} : memref<256x128xf32, #tpu.memory_space<vmem>>, vector<1x16xf32>,
        %get3A_135 = vector.shape_cast %get3A_134 : vector<1x16xf32> to vector<16xf32>
        %mul3A_136 = vector.broadcast %squeeze3A_114 : f32 to vector<16xf32>
        %mul3A_137 = arith.mulf %get3A_135, %mul3A_136 : vector<16xf32>
        %add3A_138 = arith.constant 1 : i32
        %add3A_139 = arith.addi %multiple_of3A_51, %add3A_138 : i32
        %swap3A_140 = arith.index_cast %add3A_139 : i32 to index
        %swap3A_141 = arith.constant 16 : index
        %swap3A_142 = tpu.vector_load %arg8[%swap3A_140, %swap3A_141] {strides = array<i32>} : memref<256x64xf32, #tpu.memory_space<vmem>>, vector<1x16xf32>,
        %swap3A_143 = vector.shape_cast %swap3A_142 : vector<1x16xf32> to vector<16xf32>
        %swap3A_144 = vector.shape_cast %mul3A_137 : vector<16xf32> to vector<1x16xf32>
        tpu.vector_store %arg8[%swap3A_140, %swap3A_141], %swap3A_144 {strides = array<i32>} : memref<256x64xf32, #tpu.memory_space<vmem>>, vector<1x16xf32>,
        %add3A_145 = arith.constant 1 : i32
        %add3A_146 = arith.addi %multiple_of3A_51, %add3A_145 : i32
        %get3A_147 = arith.index_cast %add3A_146 : i32 to index
        %get3A_148 = arith.constant 32 : index
        %get3A_149 = tpu.vector_load %arg7[%get3A_147, %get3A_148] {strides = array<i32>} : memref<256x128xf32, #tpu.memory_space<vmem>>, vector<1x16xf32>,
        %get3A_150 = vector.shape_cast %get3A_149 : vector<1x16xf32> to vector<16xf32>
        %mul3A_151 = vector.broadcast %squeeze3A_114 : f32 to vector<16xf32>
        %mul3A_152 = arith.mulf %get3A_150, %mul3A_151 : vector<16xf32>
        %add3A_153 = arith.constant 1 : i32
        %add3A_154 = arith.addi %multiple_of3A_51, %add3A_153 : i32
        %swap3A_155 = arith.index_cast %add3A_154 : i32 to index
        %swap3A_156 = arith.constant 32 : index
        %swap3A_157 = tpu.vector_load %arg8[%swap3A_155, %swap3A_156] {strides = array<i32>} : memref<256x64xf32, #tpu.memory_space<vmem>>, vector<1x16xf32>,
        %swap3A_158 = vector.shape_cast %swap3A_157 : vector<1x16xf32> to vector<16xf32>
        %swap3A_159 = vector.shape_cast %mul3A_152 : vector<16xf32> to vector<1x16xf32>
        tpu.vector_store %arg8[%swap3A_155, %swap3A_156], %swap3A_159 {strides = array<i32>} : memref<256x64xf32, #tpu.memory_space<vmem>>, vector<1x16xf32>,
        %add3A_160 = arith.constant 1 : i32
        %add3A_161 = arith.addi %multiple_of3A_51, %add3A_160 : i32
        %get3A_162 = arith.index_cast %add3A_161 : i32 to index
        %get3A_163 = arith.constant 48 : index
        %get3A_164 = tpu.vector_load %arg7[%get3A_162, %get3A_163] {strides = array<i32>} : memref<256x128xf32, #tpu.memory_space<vmem>>, vector<1x16xf32>,
        %get3A_165 = vector.shape_cast %get3A_164 : vector<1x16xf32> to vector<16xf32>
        %mul3A_166 = vector.broadcast %squeeze3A_114 : f32 to vector<16xf32>
        %mul3A_167 = arith.mulf %get3A_165, %mul3A_166 : vector<16xf32>
        %add3A_168 = arith.constant 1 : i32
        %add3A_169 = arith.addi %multiple_of3A_51, %add3A_168 : i32
        %swap3A_170 = arith.index_cast %add3A_169 : i32 to index
        %swap3A_171 = arith.constant 48 : index
        %swap3A_172 = tpu.vector_load %arg8[%swap3A_170, %swap3A_171] {strides = array<i32>} : memref<256x64xf32, #tpu.memory_space<vmem>>, vector<1x16xf32>,
        %swap3A_173 = vector.shape_cast %swap3A_172 : vector<1x16xf32> to vector<16xf32>
        %swap3A_174 = vector.shape_cast %mul3A_167 : vector<16xf32> to vector<1x16xf32>
        tpu.vector_store %arg8[%swap3A_170, %swap3A_171], %swap3A_174 {strides = array<i32>} : memref<256x64xf32, #tpu.memory_space<vmem>>, vector<1x16xf32>,
        %slice3A_175 = vector.extract_strided_slice %get3A_53 {offsets = [2], sizes = [1], strides = [1]} : vector<16xf32> to vector<1xf32>
        %squeeze3A_176 = vector.extract %slice3A_175[0] : f32 from vector<1xf32>
        %add3A_177 = arith.constant 2 : i32
        %add3A_178 = arith.addi %multiple_of3A_51, %add3A_177 : i32
        %get3A_179 = arith.index_cast %add3A_178 : i32 to index
        %get3A_180 = arith.constant 0 : index
        %get3A_181 = tpu.vector_load %arg7[%get3A_179, %get3A_180] {strides = array<i32>} : memref<256x128xf32, #tpu.memory_space<vmem>>, vector<1x16xf32>,
        %get3A_182 = vector.shape_cast %get3A_181 : vector<1x16xf32> to vector<16xf32>
        %mul3A_183 = vector.broadcast %squeeze3A_176 : f32 to vector<16xf32>
        %mul3A_184 = arith.mulf %get3A_182, %mul3A_183 : vector<16xf32>
        %add3A_185 = arith.constant 2 : i32
        %add3A_186 = arith.addi %multiple_of3A_51, %add3A_185 : i32
        %swap3A_187 = arith.index_cast %add3A_186 : i32 to index
        %swap3A_188 = arith.constant 0 : index
        %swap3A_189 = tpu.vector_load %arg8[%swap3A_187, %swap3A_188] {strides = array<i32>} : memref<256x64xf32, #tpu.memory_space<vmem>>, vector<1x16xf32>,
        %swap3A_190 = vector.shape_cast %swap3A_189 : vector<1x16xf32> to vector<16xf32>
        %swap3A_191 = vector.shape_cast %mul3A_184 : vector<16xf32> to vector<1x16xf32>
        tpu.vector_store %arg8[%swap3A_187, %swap3A_188], %swap3A_191 {strides = array<i32>} : memref<256x64xf32, #tpu.memory_space<vmem>>, vector<1x16xf32>,
        %add3A_192 = arith.constant 2 : i32
        %add3A_193 = arith.addi %multiple_of3A_51, %add3A_192 : i32
        %get3A_194 = arith.index_cast %add3A_193 : i32 to index
        %get3A_195 = arith.constant 16 : index
        %get3A_196 = tpu.vector_load %arg7[%get3A_194, %get3A_195] {strides = array<i32>} : memref<256x128xf32, #tpu.memory_space<vmem>>, vector<1x16xf32>,
        %get3A_197 = vector.shape_cast %get3A_196 : vector<1x16xf32> to vector<16xf32>
        %mul3A_198 = vector.broadcast %squeeze3A_176 : f32 to vector<16xf32>
        %mul3A_199 = arith.mulf %get3A_197, %mul3A_198 : vector<16xf32>
        %add3A_200 = arith.constant 2 : i32
        %add3A_201 = arith.addi %multiple_of3A_51, %add3A_200 : i32
        %swap3A_202 = arith.index_cast %add3A_201 : i32 to index
        %swap3A_203 = arith.constant 16 : index
        %swap3A_204 = tpu.vector_load %arg8[%swap3A_202, %swap3A_203] {strides = array<i32>} : memref<256x64xf32, #tpu.memory_space<vmem>>, vector<1x16xf32>,
        %swap3A_205 = vector.shape_cast %swap3A_204 : vector<1x16xf32> to vector<16xf32>
        %swap3A_206 = vector.shape_cast %mul3A_199 : vector<16xf32> to vector<1x16xf32>
        tpu.vector_store %arg8[%swap3A_202, %swap3A_203], %swap3A_206 {strides = array<i32>} : memref<256x64xf32, #tpu.memory_space<vmem>>, vector<1x16xf32>,
        %add3A_207 = arith.constant 2 : i32
        %add3A_208 = arith.addi %multiple_of3A_51, %add3A_207 : i32
        %get3A_209 = arith.index_cast %add3A_208 : i32 to index
        %get3A_210 = arith.constant 32 : index
        %get3A_211 = tpu.vector_load %arg7[%get3A_209, %get3A_210] {strides = array<i32>} : memref<256x128xf32, #tpu.memory_space<vmem>>, vector<1x16xf32>,
        %get3A_212 = vector.shape_cast %get3A_211 : vector<1x16xf32> to vector<16xf32>
        %mul3A_213 = vector.broadcast %squeeze3A_176 : f32 to vector<16xf32>
        %mul3A_214 = arith.mulf %get3A_212, %mul3A_213 : vector<16xf32>
        %add3A_215 = arith.constant 2 : i32
        %add3A_216 = arith.addi %multiple_of3A_51, %add3A_215 : i32
        %swap3A_217 = arith.index_cast %add3A_216 : i32 to index
        %swap3A_218 = arith.constant 32 : index
        %swap3A_219 = tpu.vector_load %arg8[%swap3A_217, %swap3A_218] {strides = array<i32>} : memref<256x64xf32, #tpu.memory_space<vmem>>, vector<1x16xf32>,
        %swap3A_220 = vector.shape_cast %swap3A_219 : vector<1x16xf32> to vector<16xf32>
        %swap3A_221 = vector.shape_cast %mul3A_214 : vector<16xf32> to vector<1x16xf32>
        tpu.vector_store %arg8[%swap3A_217, %swap3A_218], %swap3A_221 {strides = array<i32>} : memref<256x64xf32, #tpu.memory_space<vmem>>, vector<1x16xf32>,
        %add3A_222 = arith.constant 2 : i32
        %add3A_223 = arith.addi %multiple_of3A_51, %add3A_222 : i32
        %get3A_224 = arith.index_cast %add3A_223 : i32 to index
        %get3A_225 = arith.constant 48 : index
        %get3A_226 = tpu.vector_load %arg7[%get3A_224, %get3A_225] {strides = array<i32>} : memref<256x128xf32, #tpu.memory_space<vmem>>, vector<1x16xf32>,
        %get3A_227 = vector.shape_cast %get3A_226 : vector<1x16xf32> to vector<16xf32>
        %mul3A_228 = vector.broadcast %squeeze3A_176 : f32 to vector<16xf32>
        %mul3A_229 = arith.mulf %get3A_227, %mul3A_228 : vector<16xf32>
        %add3A_230 = arith.constant 2 : i32
        %add3A_231 = arith.addi %multiple_of3A_51, %add3A_230 : i32
        %swap3A_232 = arith.index_cast %add3A_231 : i32 to index
        %swap3A_233 = arith.constant 48 : index
        %swap3A_234 = tpu.vector_load %arg8[%swap3A_232, %swap3A_233] {strides = array<i32>} : memref<256x64xf32, #tpu.memory_space<vmem>>, vector<1x16xf32>,
        %swap3A_235 = vector.shape_cast %swap3A_234 : vector<1x16xf32> to vector<16xf32>
        %swap3A_236 = vector.shape_cast %mul3A_229 : vector<16xf32> to vector<1x16xf32>
        tpu.vector_store %arg8[%swap3A_232, %swap3A_233], %swap3A_236 {strides = array<i32>} : memref<256x64xf32, #tpu.memory_space<vmem>>, vector<1x16xf32>,
        %slice3A_237 = vector.extract_strided_slice %get3A_53 {offsets = [3], sizes = [1], strides = [1]} : vector<16xf32> to vector<1xf32>
        %squeeze3A_238 = vector.extract %slice3A_237[0] : f32 from vector<1xf32>
        %add3A_239 = arith.constant 3 : i32
        %add3A_240 = arith.addi %multiple_of3A_51, %add3A_239 : i32
        %get3A_241 = arith.index_cast %add3A_240 : i32 to index
        %get3A_242 = arith.constant 0 : index
        %get3A_243 = tpu.vector_load %arg7[%get3A_241, %get3A_242] {strides = array<i32>} : memref<256x128xf32, #tpu.memory_space<vmem>>, vector<1x16xf32>,
        %get3A_244 = vector.shape_cast %get3A_243 : vector<1x16xf32> to vector<16xf32>
        %mul3A_245 = vector.broadcast %squeeze3A_238 : f32 to vector<16xf32>
        %mul3A_246 = arith.mulf %get3A_244, %mul3A_245 : vector<16xf32>
        %add3A_247 = arith.constant 3 : i32
        %add3A_248 = arith.addi %multiple_of3A_51, %add3A_247 : i32
        %swap3A_249 = arith.index_cast %add3A_248 : i32 to index
        %swap3A_250 = arith.constant 0 : index
        %swap3A_251 = tpu.vector_load %arg8[%swap3A_249, %swap3A_250] {strides = array<i32>} : memref<256x64xf32, #tpu.memory_space<vmem>>, vector<1x16xf32>,
        %swap3A_252 = vector.shape_cast %swap3A_251 : vector<1x16xf32> to vector<16xf32>
        %swap3A_253 = vector.shape_cast %mul3A_246 : vector<16xf32> to vector<1x16xf32>
        tpu.vector_store %arg8[%swap3A_249, %swap3A_250], %swap3A_253 {strides = array<i32>} : memref<256x64xf32, #tpu.memory_space<vmem>>, vector<1x16xf32>,
        %add3A_254 = arith.constant 3 : i32
        %add3A_255 = arith.addi %multiple_of3A_51, %add3A_254 : i32
        %get3A_256 = arith.index_cast %add3A_255 : i32 to index
        %get3A_257 = arith.constant 16 : index
        %get3A_258 = tpu.vector_load %arg7[%get3A_256, %get3A_257] {strides = array<i32>} : memref<256x128xf32, #tpu.memory_space<vmem>>, vector<1x16xf32>,
        %get3A_259 = vector.shape_cast %get3A_258 : vector<1x16xf32> to vector<16xf32>
        %mul3A_260 = vector.broadcast %squeeze3A_238 : f32 to vector<16xf32>
        %mul3A_261 = arith.mulf %get3A_259, %mul3A_260 : vector<16xf32>
        %add3A_262 = arith.constant 3 : i32
        %add3A_263 = arith.addi %multiple_of3A_51, %add3A_262 : i32
        %swap3A_264 = arith.index_cast %add3A_263 : i32 to index
        %swap3A_265 = arith.constant 16 : index
        %swap3A_266 = tpu.vector_load %arg8[%swap3A_264, %swap3A_265] {strides = array<i32>} : memref<256x64xf32, #tpu.memory_space<vmem>>, vector<1x16xf32>,
        %swap3A_267 = vector.shape_cast %swap3A_266 : vector<1x16xf32> to vector<16xf32>
        %swap3A_268 = vector.shape_cast %mul3A_261 : vector<16xf32> to vector<1x16xf32>
        tpu.vector_store %arg8[%swap3A_264, %swap3A_265], %swap3A_268 {strides = array<i32>} : memref<256x64xf32, #tpu.memory_space<vmem>>, vector<1x16xf32>,
        %add3A_269 = arith.constant 3 : i32
        %add3A_270 = arith.addi %multiple_of3A_51, %add3A_269 : i32
        %get3A_271 = arith.index_cast %add3A_270 : i32 to index
        %get3A_272 = arith.constant 32 : index
        %get3A_273 = tpu.vector_load %arg7[%get3A_271, %get3A_272] {strides = array<i32>} : memref<256x128xf32, #tpu.memory_space<vmem>>, vector<1x16xf32>,
        %get3A_274 = vector.shape_cast %get3A_273 : vector<1x16xf32> to vector<16xf32>
        %mul3A_275 = vector.broadcast %squeeze3A_238 : f32 to vector<16xf32>
        %mul3A_276 = arith.mulf %get3A_274, %mul3A_275 : vector<16xf32>
        %add3A_277 = arith.constant 3 : i32
        %add3A_278 = arith.addi %multiple_of3A_51, %add3A_277 : i32
        %swap3A_279 = arith.index_cast %add3A_278 : i32 to index
        %swap3A_280 = arith.constant 32 : index
        %swap3A_281 = tpu.vector_load %arg8[%swap3A_279, %swap3A_280] {strides = array<i32>} : memref<256x64xf32, #tpu.memory_space<vmem>>, vector<1x16xf32>,
        %swap3A_282 = vector.shape_cast %swap3A_281 : vector<1x16xf32> to vector<16xf32>
        %swap3A_283 = vector.shape_cast %mul3A_276 : vector<16xf32> to vector<1x16xf32>
        tpu.vector_store %arg8[%swap3A_279, %swap3A_280], %swap3A_283 {strides = array<i32>} : memref<256x64xf32, #tpu.memory_space<vmem>>, vector<1x16xf32>,
        %add3A_284 = arith.constant 3 : i32
        %add3A_285 = arith.addi %multiple_of3A_51, %add3A_284 : i32
        %get3A_286 = arith.index_cast %add3A_285 : i32 to index
        %get3A_287 = arith.constant 48 : index
        %get3A_288 = tpu.vector_load %arg7[%get3A_286, %get3A_287] {strides = array<i32>} : memref<256x128xf32, #tpu.memory_space<vmem>>, vector<1x16xf32>,
        %get3A_289 = vector.shape_cast %get3A_288 : vector<1x16xf32> to vector<16xf32>
        %mul3A_290 = vector.broadcast %squeeze3A_238 : f32 to vector<16xf32>
        %mul3A_291 = arith.mulf %get3A_289, %mul3A_290 : vector<16xf32>
        %add3A_292 = arith.constant 3 : i32
        %add3A_293 = arith.addi %multiple_of3A_51, %add3A_292 : i32
        %swap3A_294 = arith.index_cast %add3A_293 : i32 to index
        %swap3A_295 = arith.constant 48 : index
        %swap3A_296 = tpu.vector_load %arg8[%swap3A_294, %swap3A_295] {strides = array<i32>} : memref<256x64xf32, #tpu.memory_space<vmem>>, vector<1x16xf32>,
        %swap3A_297 = vector.shape_cast %swap3A_296 : vector<1x16xf32> to vector<16xf32>
        %swap3A_298 = vector.shape_cast %mul3A_291 : vector<16xf32> to vector<1x16xf32>
        tpu.vector_store %arg8[%swap3A_294, %swap3A_295], %swap3A_298 {strides = array<i32>} : memref<256x64xf32, #tpu.memory_space<vmem>>, vector<1x16xf32>,
        %slice3A_299 = vector.extract_strided_slice %get3A_53 {offsets = [4], sizes = [1], strides = [1]} : vector<16xf32> to vector<1xf32>
        %squeeze3A_300 = vector.extract %slice3A_299[0] : f32 from vector<1xf32>
        %add3A_301 = arith.constant 4 : i32
        %add3A_302 = arith.addi %multiple_of3A_51, %add3A_301 : i32
        %get3A_303 = arith.index_cast %add3A_302 : i32 to index
        %get3A_304 = arith.constant 0 : index
        %get3A_305 = tpu.vector_load %arg7[%get3A_303, %get3A_304] {strides = array<i32>} : memref<256x128xf32, #tpu.memory_space<vmem>>, vector<1x16xf32>,
        %get3A_306 = vector.shape_cast %get3A_305 : vector<1x16xf32> to vector<16xf32>
        %mul3A_307 = vector.broadcast %squeeze3A_300 : f32 to vector<16xf32>
        %mul3A_308 = arith.mulf %get3A_306, %mul3A_307 : vector<16xf32>
        %add3A_309 = arith.constant 4 : i32
        %add3A_310 = arith.addi %multiple_of3A_51, %add3A_309 : i32
        %swap3A_311 = arith.index_cast %add3A_310 : i32 to index
        %swap3A_312 = arith.constant 0 : index
        %swap3A_313 = tpu.vector_load %arg8[%swap3A_311, %swap3A_312] {strides = array<i32>} : memref<256x64xf32, #tpu.memory_space<vmem>>, vector<1x16xf32>,
        %swap3A_314 = vector.shape_cast %swap3A_313 : vector<1x16xf32> to vector<16xf32>
        %swap3A_315 = vector.shape_cast %mul3A_308 : vector<16xf32> to vector<1x16xf32>
        tpu.vector_store %arg8[%swap3A_311, %swap3A_312], %swap3A_315 {strides = array<i32>} : memref<256x64xf32, #tpu.memory_space<vmem>>, vector<1x16xf32>,
        %add3A_316 = arith.constant 4 : i32
        %add3A_317 = arith.addi %multiple_of3A_51, %add3A_316 : i32
        %get3A_318 = arith.index_cast %add3A_317 : i32 to index
        %get3A_319 = arith.constant 16 : index
        %get3A_320 = tpu.vector_load %arg7[%get3A_318, %get3A_319] {strides = array<i32>} : memref<256x128xf32, #tpu.memory_space<vmem>>, vector<1x16xf32>,
        %get3A_321 = vector.shape_cast %get3A_320 : vector<1x16xf32> to vector<16xf32>
        %mul3A_322 = vector.broadcast %squeeze3A_300 : f32 to vector<16xf32>
        %mul3A_323 = arith.mulf %get3A_321, %mul3A_322 : vector<16xf32>
        %add3A_324 = arith.constant 4 : i32
        %add3A_325 = arith.addi %multiple_of3A_51, %add3A_324 : i32
        %swap3A_326 = arith.index_cast %add3A_325 : i32 to index
        %swap3A_327 = arith.constant 16 : index
        %swap3A_328 = tpu.vector_load %arg8[%swap3A_326, %swap3A_327] {strides = array<i32>} : memref<256x64xf32, #tpu.memory_space<vmem>>, vector<1x16xf32>,
        %swap3A_329 = vector.shape_cast %swap3A_328 : vector<1x16xf32> to vector<16xf32>
        %swap3A_330 = vector.shape_cast %mul3A_323 : vector<16xf32> to vector<1x16xf32>
        tpu.vector_store %arg8[%swap3A_326, %swap3A_327], %swap3A_330 {strides = array<i32>} : memref<256x64xf32, #tpu.memory_space<vmem>>, vector<1x16xf32>,
        %add3A_331 = arith.constant 4 : i32
        %add3A_332 = arith.addi %multiple_of3A_51, %add3A_331 : i32
        %get3A_333 = arith.index_cast %add3A_332 : i32 to index
        %get3A_334 = arith.constant 32 : index
        %get3A_335 = tpu.vector_load %arg7[%get3A_333, %get3A_334] {strides = array<i32>} : memref<256x128xf32, #tpu.memory_space<vmem>>, vector<1x16xf32>,
        %get3A_336 = vector.shape_cast %get3A_335 : vector<1x16xf32> to vector<16xf32>
        %mul3A_337 = vector.broadcast %squeeze3A_300 : f32 to vector<16xf32>
        %mul3A_338 = arith.mulf %get3A_336, %mul3A_337 : vector<16xf32>
        %add3A_339 = arith.constant 4 : i32
        %add3A_340 = arith.addi %multiple_of3A_51, %add3A_339 : i32
        %swap3A_341 = arith.index_cast %add3A_340 : i32 to index
        %swap3A_342 = arith.constant 32 : index
        %swap3A_343 = tpu.vector_load %arg8[%swap3A_341, %swap3A_342] {strides = array<i32>} : memref<256x64xf32, #tpu.memory_space<vmem>>, vector<1x16xf32>,
        %swap3A_344 = vector.shape_cast %swap3A_343 : vector<1x16xf32> to vector<16xf32>
        %swap3A_345 = vector.shape_cast %mul3A_338 : vector<16xf32> to vector<1x16xf32>
        tpu.vector_store %arg8[%swap3A_341, %swap3A_342], %swap3A_345 {strides = array<i32>} : memref<256x64xf32, #tpu.memory_space<vmem>>, vector<1x16xf32>,
        %add3A_346 = arith.constant 4 : i32
        %add3A_347 = arith.addi %multiple_of3A_51, %add3A_346 : i32
        %get3A_348 = arith.index_cast %add3A_347 : i32 to index
        %get3A_349 = arith.constant 48 : index
        %get3A_350 = tpu.vector_load %arg7[%get3A_348, %get3A_349] {strides = array<i32>} : memref<256x128xf32, #tpu.memory_space<vmem>>, vector<1x16xf32>,
        %get3A_351 = vector.shape_cast %get3A_350 : vector<1x16xf32> to vector<16xf32>
        %mul3A_352 = vector.broadcast %squeeze3A_300 : f32 to vector<16xf32>
        %mul3A_353 = arith.mulf %get3A_351, %mul3A_352 : vector<16xf32>
        %add3A_354 = arith.constant 4 : i32
        %add3A_355 = arith.addi %multiple_of3A_51, %add3A_354 : i32
        %swap3A_356 = arith.index_cast %add3A_355 : i32 to index
        %swap3A_357 = arith.constant 48 : index
        %swap3A_358 = tpu.vector_load %arg8[%swap3A_356, %swap3A_357] {strides = array<i32>} : memref<256x64xf32, #tpu.memory_space<vmem>>, vector<1x16xf32>,
        %swap3A_359 = vector.shape_cast %swap3A_358 : vector<1x16xf32> to vector<16xf32>
        %swap3A_360 = vector.shape_cast %mul3A_353 : vector<16xf32> to vector<1x16xf32>
        tpu.vector_store %arg8[%swap3A_356, %swap3A_357], %swap3A_360 {strides = array<i32>} : memref<256x64xf32, #tpu.memory_space<vmem>>, vector<1x16xf32>,
        %slice3A_361 = vector.extract_strided_slice %get3A_53 {offsets = [5], sizes = [1], strides = [1]} : vector<16xf32> to vector<1xf32>
        %squeeze3A_362 = vector.extract %slice3A_361[0] : f32 from vector<1xf32>
        %add3A_363 = arith.constant 5 : i32
        %add3A_364 = arith.addi %multiple_of3A_51, %add3A_363 : i32
        %get3A_365 = arith.index_cast %add3A_364 : i32 to index
        %get3A_366 = arith.constant 0 : index
        %get3A_367 = tpu.vector_load %arg7[%get3A_365, %get3A_366] {strides = array<i32>} : memref<256x128xf32, #tpu.memory_space<vmem>>, vector<1x16xf32>,
        %get3A_368 = vector.shape_cast %get3A_367 : vector<1x16xf32> to vector<16xf32>
        %mul3A_369 = vector.broadcast %squeeze3A_362 : f32 to vector<16xf32>
        %mul3A_370 = arith.mulf %get3A_368, %mul3A_369 : vector<16xf32>
        %add3A_371 = arith.constant 5 : i32
        %add3A_372 = arith.addi %multiple_of3A_51, %add3A_371 : i32
        %swap3A_373 = arith.index_cast %add3A_372 : i32 to index
        %swap3A_374 = arith.constant 0 : index
        %swap3A_375 = tpu.vector_load %arg8[%swap3A_373, %swap3A_374] {strides = array<i32>} : memref<256x64xf32, #tpu.memory_space<vmem>>, vector<1x16xf32>,
        %swap3A_376 = vector.shape_cast %swap3A_375 : vector<1x16xf32> to vector<16xf32>
        %swap3A_377 = vector.shape_cast %mul3A_370 : vector<16xf32> to vector<1x16xf32>
        tpu.vector_store %arg8[%swap3A_373, %swap3A_374], %swap3A_377 {strides = array<i32>} : memref<256x64xf32, #tpu.memory_space<vmem>>, vector<1x16xf32>,
        %add3A_378 = arith.constant 5 : i32
        %add3A_379 = arith.addi %multiple_of3A_51, %add3A_378 : i32
        %get3A_380 = arith.index_cast %add3A_379 : i32 to index
        %get3A_381 = arith.constant 16 : index
        %get3A_382 = tpu.vector_load %arg7[%get3A_380, %get3A_381] {strides = array<i32>} : memref<256x128xf32, #tpu.memory_space<vmem>>, vector<1x16xf32>,
        %get3A_383 = vector.shape_cast %get3A_382 : vector<1x16xf32> to vector<16xf32>
        %mul3A_384 = vector.broadcast %squeeze3A_362 : f32 to vector<16xf32>
        %mul3A_385 = arith.mulf %get3A_383, %mul3A_384 : vector<16xf32>
        %add3A_386 = arith.constant 5 : i32
        %add3A_387 = arith.addi %multiple_of3A_51, %add3A_386 : i32
        %swap3A_388 = arith.index_cast %add3A_387 : i32 to index
        %swap3A_389 = arith.constant 16 : index
        %swap3A_390 = tpu.vector_load %arg8[%swap3A_388, %swap3A_389] {strides = array<i32>} : memref<256x64xf32, #tpu.memory_space<vmem>>, vector<1x16xf32>,
        %swap3A_391 = vector.shape_cast %swap3A_390 : vector<1x16xf32> to vector<16xf32>
        %swap3A_392 = vector.shape_cast %mul3A_385 : vector<16xf32> to vector<1x16xf32>
        tpu.vector_store %arg8[%swap3A_388, %swap3A_389], %swap3A_392 {strides = array<i32>} : memref<256x64xf32, #tpu.memory_space<vmem>>, vector<1x16xf32>,
        %add3A_393 = arith.constant 5 : i32
        %add3A_394 = arith.addi %multiple_of3A_51, %add3A_393 : i32
        %get3A_395 = arith.index_cast %add3A_394 : i32 to index
        %get3A_396 = arith.constant 32 : index
        %get3A_397 = tpu.vector_load %arg7[%get3A_395, %get3A_396] {strides = array<i32>} : memref<256x128xf32, #tpu.memory_space<vmem>>, vector<1x16xf32>,
        %get3A_398 = vector.shape_cast %get3A_397 : vector<1x16xf32> to vector<16xf32>
        %mul3A_399 = vector.broadcast %squeeze3A_362 : f32 to vector<16xf32>
        %mul3A_400 = arith.mulf %get3A_398, %mul3A_399 : vector<16xf32>
        %add3A_401 = arith.constant 5 : i32
        %add3A_402 = arith.addi %multiple_of3A_51, %add3A_401 : i32
        %swap3A_403 = arith.index_cast %add3A_402 : i32 to index
        %swap3A_404 = arith.constant 32 : index
        %swap3A_405 = tpu.vector_load %arg8[%swap3A_403, %swap3A_404] {strides = array<i32>} : memref<256x64xf32, #tpu.memory_space<vmem>>, vector<1x16xf32>,
        %swap3A_406 = vector.shape_cast %swap3A_405 : vector<1x16xf32> to vector<16xf32>
        %swap3A_407 = vector.shape_cast %mul3A_400 : vector<16xf32> to vector<1x16xf32>
        tpu.vector_store %arg8[%swap3A_403, %swap3A_404], %swap3A_407 {strides = array<i32>} : memref<256x64xf32, #tpu.memory_space<vmem>>, vector<1x16xf32>,
        %add3A_408 = arith.constant 5 : i32
        %add3A_409 = arith.addi %multiple_of3A_51, %add3A_408 : i32
        %get3A_410 = arith.index_cast %add3A_409 : i32 to index
        %get3A_411 = arith.constant 48 : index
        %get3A_412 = tpu.vector_load %arg7[%get3A_410, %get3A_411] {strides = array<i32>} : memref<256x128xf32, #tpu.memory_space<vmem>>, vector<1x16xf32>,
        %get3A_413 = vector.shape_cast %get3A_412 : vector<1x16xf32> to vector<16xf32>
        %mul3A_414 = vector.broadcast %squeeze3A_362 : f32 to vector<16xf32>
        %mul3A_415 = arith.mulf %get3A_413, %mul3A_414 : vector<16xf32>
        %add3A_416 = arith.constant 5 : i32
        %add3A_417 = arith.addi %multiple_of3A_51, %add3A_416 : i32
        %swap3A_418 = arith.index_cast %add3A_417 : i32 to index
        %swap3A_419 = arith.constant 48 : index
        %swap3A_420 = tpu.vector_load %arg8[%swap3A_418, %swap3A_419] {strides = array<i32>} : memref<256x64xf32, #tpu.memory_space<vmem>>, vector<1x16xf32>,
        %swap3A_421 = vector.shape_cast %swap3A_420 : vector<1x16xf32> to vector<16xf32>
        %swap3A_422 = vector.shape_cast %mul3A_415 : vector<16xf32> to vector<1x16xf32>
        tpu.vector_store %arg8[%swap3A_418, %swap3A_419], %swap3A_422 {strides = array<i32>} : memref<256x64xf32, #tpu.memory_space<vmem>>, vector<1x16xf32>,
        %slice3A_423 = vector.extract_strided_slice %get3A_53 {offsets = [6], sizes = [1], strides = [1]} : vector<16xf32> to vector<1xf32>
        %squeeze3A_424 = vector.extract %slice3A_423[0] : f32 from vector<1xf32>
        %add3A_425 = arith.constant 6 : i32
        %add3A_426 = arith.addi %multiple_of3A_51, %add3A_425 : i32
        %get3A_427 = arith.index_cast %add3A_426 : i32 to index
        %get3A_428 = arith.constant 0 : index
        %get3A_429 = tpu.vector_load %arg7[%get3A_427, %get3A_428] {strides = array<i32>} : memref<256x128xf32, #tpu.memory_space<vmem>>, vector<1x16xf32>,
        %get3A_430 = vector.shape_cast %get3A_429 : vector<1x16xf32> to vector<16xf32>
        %mul3A_431 = vector.broadcast %squeeze3A_424 : f32 to vector<16xf32>
        %mul3A_432 = arith.mulf %get3A_430, %mul3A_431 : vector<16xf32>
        %add3A_433 = arith.constant 6 : i32
        %add3A_434 = arith.addi %multiple_of3A_51, %add3A_433 : i32
        %swap3A_435 = arith.index_cast %add3A_434 : i32 to index
        %swap3A_436 = arith.constant 0 : index
        %swap3A_437 = tpu.vector_load %arg8[%swap3A_435, %swap3A_436] {strides = array<i32>} : memref<256x64xf32, #tpu.memory_space<vmem>>, vector<1x16xf32>,
        %swap3A_438 = vector.shape_cast %swap3A_437 : vector<1x16xf32> to vector<16xf32>
        %swap3A_439 = vector.shape_cast %mul3A_432 : vector<16xf32> to vector<1x16xf32>
        tpu.vector_store %arg8[%swap3A_435, %swap3A_436], %swap3A_439 {strides = array<i32>} : memref<256x64xf32, #tpu.memory_space<vmem>>, vector<1x16xf32>,
        %add3A_440 = arith.constant 6 : i32
        %add3A_441 = arith.addi %multiple_of3A_51, %add3A_440 : i32
        %get3A_442 = arith.index_cast %add3A_441 : i32 to index
        %get3A_443 = arith.constant 16 : index
        %get3A_444 = tpu.vector_load %arg7[%get3A_442, %get3A_443] {strides = array<i32>} : memref<256x128xf32, #tpu.memory_space<vmem>>, vector<1x16xf32>,
        %get3A_445 = vector.shape_cast %get3A_444 : vector<1x16xf32> to vector<16xf32>
        %mul3A_446 = vector.broadcast %squeeze3A_424 : f32 to vector<16xf32>
        %mul3A_447 = arith.mulf %get3A_445, %mul3A_446 : vector<16xf32>
        %add3A_448 = arith.constant 6 : i32
        %add3A_449 = arith.addi %multiple_of3A_51, %add3A_448 : i32
        %swap3A_450 = arith.index_cast %add3A_449 : i32 to index
        %swap3A_451 = arith.constant 16 : index
        %swap3A_452 = tpu.vector_load %arg8[%swap3A_450, %swap3A_451] {strides = array<i32>} : memref<256x64xf32, #tpu.memory_space<vmem>>, vector<1x16xf32>,
        %swap3A_453 = vector.shape_cast %swap3A_452 : vector<1x16xf32> to vector<16xf32>
        %swap3A_454 = vector.shape_cast %mul3A_447 : vector<16xf32> to vector<1x16xf32>
        tpu.vector_store %arg8[%swap3A_450, %swap3A_451], %swap3A_454 {strides = array<i32>} : memref<256x64xf32, #tpu.memory_space<vmem>>, vector<1x16xf32>,
        %add3A_455 = arith.constant 6 : i32
        %add3A_456 = arith.addi %multiple_of3A_51, %add3A_455 : i32
        %get3A_457 = arith.index_cast %add3A_456 : i32 to index
        %get3A_458 = arith.constant 32 : index
        %get3A_459 = tpu.vector_load %arg7[%get3A_457, %get3A_458] {strides = array<i32>} : memref<256x128xf32, #tpu.memory_space<vmem>>, vector<1x16xf32>,
        %get3A_460 = vector.shape_cast %get3A_459 : vector<1x16xf32> to vector<16xf32>
        %mul3A_461 = vector.broadcast %squeeze3A_424 : f32 to vector<16xf32>
        %mul3A_462 = arith.mulf %get3A_460, %mul3A_461 : vector<16xf32>
        %add3A_463 = arith.constant 6 : i32
        %add3A_464 = arith.addi %multiple_of3A_51, %add3A_463 : i32
        %swap3A_465 = arith.index_cast %add3A_464 : i32 to index
        %swap3A_466 = arith.constant 32 : index
        %swap3A_467 = tpu.vector_load %arg8[%swap3A_465, %swap3A_466] {strides = array<i32>} : memref<256x64xf32, #tpu.memory_space<vmem>>, vector<1x16xf32>,
        %swap3A_468 = vector.shape_cast %swap3A_467 : vector<1x16xf32> to vector<16xf32>
        %swap3A_469 = vector.shape_cast %mul3A_462 : vector<16xf32> to vector<1x16xf32>
        tpu.vector_store %arg8[%swap3A_465, %swap3A_466], %swap3A_469 {strides = array<i32>} : memref<256x64xf32, #tpu.memory_space<vmem>>, vector<1x16xf32>,
        %add3A_470 = arith.constant 6 : i32
        %add3A_471 = arith.addi %multiple_of3A_51, %add3A_470 : i32
        %get3A_472 = arith.index_cast %add3A_471 : i32 to index
        %get3A_473 = arith.constant 48 : index
        %get3A_474 = tpu.vector_load %arg7[%get3A_472, %get3A_473] {strides = array<i32>} : memref<256x128xf32, #tpu.memory_space<vmem>>, vector<1x16xf32>,
        %get3A_475 = vector.shape_cast %get3A_474 : vector<1x16xf32> to vector<16xf32>
        %mul3A_476 = vector.broadcast %squeeze3A_424 : f32 to vector<16xf32>
        %mul3A_477 = arith.mulf %get3A_475, %mul3A_476 : vector<16xf32>
        %add3A_478 = arith.constant 6 : i32
        %add3A_479 = arith.addi %multiple_of3A_51, %add3A_478 : i32
        %swap3A_480 = arith.index_cast %add3A_479 : i32 to index
        %swap3A_481 = arith.constant 48 : index
        %swap3A_482 = tpu.vector_load %arg8[%swap3A_480, %swap3A_481] {strides = array<i32>} : memref<256x64xf32, #tpu.memory_space<vmem>>, vector<1x16xf32>,
        %swap3A_483 = vector.shape_cast %swap3A_482 : vector<1x16xf32> to vector<16xf32>
        %swap3A_484 = vector.shape_cast %mul3A_477 : vector<16xf32> to vector<1x16xf32>
        tpu.vector_store %arg8[%swap3A_480, %swap3A_481], %swap3A_484 {strides = array<i32>} : memref<256x64xf32, #tpu.memory_space<vmem>>, vector<1x16xf32>,
        %slice3A_485 = vector.extract_strided_slice %get3A_53 {offsets = [7], sizes = [1], strides = [1]} : vector<16xf32> to vector<1xf32>
        %squeeze3A_486 = vector.extract %slice3A_485[0] : f32 from vector<1xf32>
        %add3A_487 = arith.constant 7 : i32
        %add3A_488 = arith.addi %multiple_of3A_51, %add3A_487 : i32
        %get3A_489 = arith.index_cast %add3A_488 : i32 to index
        %get3A_490 = arith.constant 0 : index
        %get3A_491 = tpu.vector_load %arg7[%get3A_489, %get3A_490] {strides = array<i32>} : memref<256x128xf32, #tpu.memory_space<vmem>>, vector<1x16xf32>,
        %get3A_492 = vector.shape_cast %get3A_491 : vector<1x16xf32> to vector<16xf32>
        %mul3A_493 = vector.broadcast %squeeze3A_486 : f32 to vector<16xf32>
        %mul3A_494 = arith.mulf %get3A_492, %mul3A_493 : vector<16xf32>
        %add3A_495 = arith.constant 7 : i32
        %add3A_496 = arith.addi %multiple_of3A_51, %add3A_495 : i32
        %swap3A_497 = arith.index_cast %add3A_496 : i32 to index
        %swap3A_498 = arith.constant 0 : index
        %swap3A_499 = tpu.vector_load %arg8[%swap3A_497, %swap3A_498] {strides = array<i32>} : memref<256x64xf32, #tpu.memory_space<vmem>>, vector<1x16xf32>,
        %swap3A_500 = vector.shape_cast %swap3A_499 : vector<1x16xf32> to vector<16xf32>
        %swap3A_501 = vector.shape_cast %mul3A_494 : vector<16xf32> to vector<1x16xf32>
        tpu.vector_store %arg8[%swap3A_497, %swap3A_498], %swap3A_501 {strides = array<i32>} : memref<256x64xf32, #tpu.memory_space<vmem>>, vector<1x16xf32>,
        %add3A_502 = arith.constant 7 : i32
        %add3A_503 = arith.addi %multiple_of3A_51, %add3A_502 : i32
        %get3A_504 = arith.index_cast %add3A_503 : i32 to index
        %get3A_505 = arith.constant 16 : index
        %get3A_506 = tpu.vector_load %arg7[%get3A_504, %get3A_505] {strides = array<i32>} : memref<256x128xf32, #tpu.memory_space<vmem>>, vector<1x16xf32>,
        %get3A_507 = vector.shape_cast %get3A_506 : vector<1x16xf32> to vector<16xf32>
        %mul3A_508 = vector.broadcast %squeeze3A_486 : f32 to vector<16xf32>
        %mul3A_509 = arith.mulf %get3A_507, %mul3A_508 : vector<16xf32>
        %add3A_510 = arith.constant 7 : i32
        %add3A_511 = arith.addi %multiple_of3A_51, %add3A_510 : i32
        %swap3A_512 = arith.index_cast %add3A_511 : i32 to index
        %swap3A_513 = arith.constant 16 : index
        %swap3A_514 = tpu.vector_load %arg8[%swap3A_512, %swap3A_513] {strides = array<i32>} : memref<256x64xf32, #tpu.memory_space<vmem>>, vector<1x16xf32>,
        %swap3A_515 = vector.shape_cast %swap3A_514 : vector<1x16xf32> to vector<16xf32>
        %swap3A_516 = vector.shape_cast %mul3A_509 : vector<16xf32> to vector<1x16xf32>
        tpu.vector_store %arg8[%swap3A_512, %swap3A_513], %swap3A_516 {strides = array<i32>} : memref<256x64xf32, #tpu.memory_space<vmem>>, vector<1x16xf32>,
        %add3A_517 = arith.constant 7 : i32
        %add3A_518 = arith.addi %multiple_of3A_51, %add3A_517 : i32
        %get3A_519 = arith.index_cast %add3A_518 : i32 to index
        %get3A_520 = arith.constant 32 : index
        %get3A_521 = tpu.vector_load %arg7[%get3A_519, %get3A_520] {strides = array<i32>} : memref<256x128xf32, #tpu.memory_space<vmem>>, vector<1x16xf32>,
        %get3A_522 = vector.shape_cast %get3A_521 : vector<1x16xf32> to vector<16xf32>
        %mul3A_523 = vector.broadcast %squeeze3A_486 : f32 to vector<16xf32>
        %mul3A_524 = arith.mulf %get3A_522, %mul3A_523 : vector<16xf32>
        %add3A_525 = arith.constant 7 : i32
        %add3A_526 = arith.addi %multiple_of3A_51, %add3A_525 : i32
        %swap3A_527 = arith.index_cast %add3A_526 : i32 to index
        %swap3A_528 = arith.constant 32 : index
        %swap3A_529 = tpu.vector_load %arg8[%swap3A_527, %swap3A_528] {strides = array<i32>} : memref<256x64xf32, #tpu.memory_space<vmem>>, vector<1x16xf32>,
        %swap3A_530 = vector.shape_cast %swap3A_529 : vector<1x16xf32> to vector<16xf32>
        %swap3A_531 = vector.shape_cast %mul3A_524 : vector<16xf32> to vector<1x16xf32>
        tpu.vector_store %arg8[%swap3A_527, %swap3A_528], %swap3A_531 {strides = array<i32>} : memref<256x64xf32, #tpu.memory_space<vmem>>, vector<1x16xf32>,
        %add3A_532 = arith.constant 7 : i32
        %add3A_533 = arith.addi %multiple_of3A_51, %add3A_532 : i32
        %get3A_534 = arith.index_cast %add3A_533 : i32 to index
        %get3A_535 = arith.constant 48 : index
        %get3A_536 = tpu.vector_load %arg7[%get3A_534, %get3A_535] {strides = array<i32>} : memref<256x128xf32, #tpu.memory_space<vmem>>, vector<1x16xf32>,
        %get3A_537 = vector.shape_cast %get3A_536 : vector<1x16xf32> to vector<16xf32>
        %mul3A_538 = vector.broadcast %squeeze3A_486 : f32 to vector<16xf32>
        %mul3A_539 = arith.mulf %get3A_537, %mul3A_538 : vector<16xf32>
        %add3A_540 = arith.constant 7 : i32
        %add3A_541 = arith.addi %multiple_of3A_51, %add3A_540 : i32
        %swap3A_542 = arith.index_cast %add3A_541 : i32 to index
        %swap3A_543 = arith.constant 48 : index
        %swap3A_544 = tpu.vector_load %arg8[%swap3A_542, %swap3A_543] {strides = array<i32>} : memref<256x64xf32, #tpu.memory_space<vmem>>, vector<1x16xf32>,
        %swap3A_545 = vector.shape_cast %swap3A_544 : vector<1x16xf32> to vector<16xf32>
        %swap3A_546 = vector.shape_cast %mul3A_539 : vector<16xf32> to vector<1x16xf32>
        tpu.vector_store %arg8[%swap3A_542, %swap3A_543], %swap3A_546 {strides = array<i32>} : memref<256x64xf32, #tpu.memory_space<vmem>>, vector<1x16xf32>,
        %slice3A_547 = vector.extract_strided_slice %get3A_53 {offsets = [8], sizes = [1], strides = [1]} : vector<16xf32> to vector<1xf32>
        %squeeze3A_548 = vector.extract %slice3A_547[0] : f32 from vector<1xf32>
        %add3A_549 = arith.constant 8 : i32
        %add3A_550 = arith.addi %multiple_of3A_51, %add3A_549 : i32
        %get3A_551 = arith.index_cast %add3A_550 : i32 to index
        %get3A_552 = arith.constant 0 : index
        %get3A_553 = tpu.vector_load %arg7[%get3A_551, %get3A_552] {strides = array<i32>} : memref<256x128xf32, #tpu.memory_space<vmem>>, vector<1x16xf32>,
        %get3A_554 = vector.shape_cast %get3A_553 : vector<1x16xf32> to vector<16xf32>
        %mul3A_555 = vector.broadcast %squeeze3A_548 : f32 to vector<16xf32>
        %mul3A_556 = arith.mulf %get3A_554, %mul3A_555 : vector<16xf32>
        %add3A_557 = arith.constant 8 : i32
        %add3A_558 = arith.addi %multiple_of3A_51, %add3A_557 : i32
        %swap3A_559 = arith.index_cast %add3A_558 : i32 to index
        %swap3A_560 = arith.constant 0 : index
        %swap3A_561 = tpu.vector_load %arg8[%swap3A_559, %swap3A_560] {strides = array<i32>} : memref<256x64xf32, #tpu.memory_space<vmem>>, vector<1x16xf32>,
        %swap3A_562 = vector.shape_cast %swap3A_561 : vector<1x16xf32> to vector<16xf32>
        %swap3A_563 = vector.shape_cast %mul3A_556 : vector<16xf32> to vector<1x16xf32>
        tpu.vector_store %arg8[%swap3A_559, %swap3A_560], %swap3A_563 {strides = array<i32>} : memref<256x64xf32, #tpu.memory_space<vmem>>, vector<1x16xf32>,
        %add3A_564 = arith.constant 8 : i32
        %add3A_565 = arith.addi %multiple_of3A_51, %add3A_564 : i32
        %get3A_566 = arith.index_cast %add3A_565 : i32 to index
        %get3A_567 = arith.constant 16 : index
        %get3A_568 = tpu.vector_load %arg7[%get3A_566, %get3A_567] {strides = array<i32>} : memref<256x128xf32, #tpu.memory_space<vmem>>, vector<1x16xf32>,
        %get3A_569 = vector.shape_cast %get3A_568 : vector<1x16xf32> to vector<16xf32>
        %mul3A_570 = vector.broadcast %squeeze3A_548 : f32 to vector<16xf32>
        %mul3A_571 = arith.mulf %get3A_569, %mul3A_570 : vector<16xf32>
        %add3A_572 = arith.constant 8 : i32
        %add3A_573 = arith.addi %multiple_of3A_51, %add3A_572 : i32
        %swap3A_574 = arith.index_cast %add3A_573 : i32 to index
        %swap3A_575 = arith.constant 16 : index
        %swap3A_576 = tpu.vector_load %arg8[%swap3A_574, %swap3A_575] {strides = array<i32>} : memref<256x64xf32, #tpu.memory_space<vmem>>, vector<1x16xf32>,
        %swap3A_577 = vector.shape_cast %swap3A_576 : vector<1x16xf32> to vector<16xf32>
        %swap3A_578 = vector.shape_cast %mul3A_571 : vector<16xf32> to vector<1x16xf32>
        tpu.vector_store %arg8[%swap3A_574, %swap3A_575], %swap3A_578 {strides = array<i32>} : memref<256x64xf32, #tpu.memory_space<vmem>>, vector<1x16xf32>,
        %add3A_579 = arith.constant 8 : i32
        %add3A_580 = arith.addi %multiple_of3A_51, %add3A_579 : i32
        %get3A_581 = arith.index_cast %add3A_580 : i32 to index
        %get3A_582 = arith.constant 32 : index
        %get3A_583 = tpu.vector_load %arg7[%get3A_581, %get3A_582] {strides = array<i32>} : memref<256x128xf32, #tpu.memory_space<vmem>>, vector<1x16xf32>,
        %get3A_584 = vector.shape_cast %get3A_583 : vector<1x16xf32> to vector<16xf32>
        %mul3A_585 = vector.broadcast %squeeze3A_548 : f32 to vector<16xf32>
        %mul3A_586 = arith.mulf %get3A_584, %mul3A_585 : vector<16xf32>
        %add3A_587 = arith.constant 8 : i32
        %add3A_588 = arith.addi %multiple_of3A_51, %add3A_587 : i32
        %swap3A_589 = arith.index_cast %add3A_588 : i32 to index
        %swap3A_590 = arith.constant 32 : index
        %swap3A_591 = tpu.vector_load %arg8[%swap3A_589, %swap3A_590] {strides = array<i32>} : memref<256x64xf32, #tpu.memory_space<vmem>>, vector<1x16xf32>,
        %swap3A_592 = vector.shape_cast %swap3A_591 : vector<1x16xf32> to vector<16xf32>
        %swap3A_593 = vector.shape_cast %mul3A_586 : vector<16xf32> to vector<1x16xf32>
        tpu.vector_store %arg8[%swap3A_589, %swap3A_590], %swap3A_593 {strides = array<i32>} : memref<256x64xf32, #tpu.memory_space<vmem>>, vector<1x16xf32>,
        %add3A_594 = arith.constant 8 : i32
        %add3A_595 = arith.addi %multiple_of3A_51, %add3A_594 : i32
        %get3A_596 = arith.index_cast %add3A_595 : i32 to index
        %get3A_597 = arith.constant 48 : index
        %get3A_598 = tpu.vector_load %arg7[%get3A_596, %get3A_597] {strides = array<i32>} : memref<256x128xf32, #tpu.memory_space<vmem>>, vector<1x16xf32>,
        %get3A_599 = vector.shape_cast %get3A_598 : vector<1x16xf32> to vector<16xf32>
        %mul3A_600 = vector.broadcast %squeeze3A_548 : f32 to vector<16xf32>
        %mul3A_601 = arith.mulf %get3A_599, %mul3A_600 : vector<16xf32>
        %add3A_602 = arith.constant 8 : i32
        %add3A_603 = arith.addi %multiple_of3A_51, %add3A_602 : i32
        %swap3A_604 = arith.index_cast %add3A_603 : i32 to index
        %swap3A_605 = arith.constant 48 : index
        %swap3A_606 = tpu.vector_load %arg8[%swap3A_604, %swap3A_605] {strides = array<i32>} : memref<256x64xf32, #tpu.memory_space<vmem>>, vector<1x16xf32>,
        %swap3A_607 = vector.shape_cast %swap3A_606 : vector<1x16xf32> to vector<16xf32>
        %swap3A_608 = vector.shape_cast %mul3A_601 : vector<16xf32> to vector<1x16xf32>
        tpu.vector_store %arg8[%swap3A_604, %swap3A_605], %swap3A_608 {strides = array<i32>} : memref<256x64xf32, #tpu.memory_space<vmem>>, vector<1x16xf32>,
        %slice3A_609 = vector.extract_strided_slice %get3A_53 {offsets = [9], sizes = [1], strides = [1]} : vector<16xf32> to vector<1xf32>
        %squeeze3A_610 = vector.extract %slice3A_609[0] : f32 from vector<1xf32>
        %add3A_611 = arith.constant 9 : i32
        %add3A_612 = arith.addi %multiple_of3A_51, %add3A_611 : i32
        %get3A_613 = arith.index_cast %add3A_612 : i32 to index
        %get3A_614 = arith.constant 0 : index
        %get3A_615 = tpu.vector_load %arg7[%get3A_613, %get3A_614] {strides = array<i32>} : memref<256x128xf32, #tpu.memory_space<vmem>>, vector<1x16xf32>,
        %get3A_616 = vector.shape_cast %get3A_615 : vector<1x16xf32> to vector<16xf32>
        %mul3A_617 = vector.broadcast %squeeze3A_610 : f32 to vector<16xf32>
        %mul3A_618 = arith.mulf %get3A_616, %mul3A_617 : vector<16xf32>
        %add3A_619 = arith.constant 9 : i32
        %add3A_620 = arith.addi %multiple_of3A_51, %add3A_619 : i32
        %swap3A_621 = arith.index_cast %add3A_620 : i32 to index
        %swap3A_622 = arith.constant 0 : index
        %swap3A_623 = tpu.vector_load %arg8[%swap3A_621, %swap3A_622] {strides = array<i32>} : memref<256x64xf32, #tpu.memory_space<vmem>>, vector<1x16xf32>,
        %swap3A_624 = vector.shape_cast %swap3A_623 : vector<1x16xf32> to vector<16xf32>
        %swap3A_625 = vector.shape_cast %mul3A_618 : vector<16xf32> to vector<1x16xf32>
        tpu.vector_store %arg8[%swap3A_621, %swap3A_622], %swap3A_625 {strides = array<i32>} : memref<256x64xf32, #tpu.memory_space<vmem>>, vector<1x16xf32>,
        %add3A_626 = arith.constant 9 : i32
        %add3A_627 = arith.addi %multiple_of3A_51, %add3A_626 : i32
        %get3A_628 = arith.index_cast %add3A_627 : i32 to index
        %get3A_629 = arith.constant 16 : index
        %get3A_630 = tpu.vector_load %arg7[%get3A_628, %get3A_629] {strides = array<i32>} : memref<256x128xf32, #tpu.memory_space<vmem>>, vector<1x16xf32>,
        %get3A_631 = vector.shape_cast %get3A_630 : vector<1x16xf32> to vector<16xf32>
        %mul3A_632 = vector.broadcast %squeeze3A_610 : f32 to vector<16xf32>
        %mul3A_633 = arith.mulf %get3A_631, %mul3A_632 : vector<16xf32>
        %add3A_634 = arith.constant 9 : i32
        %add3A_635 = arith.addi %multiple_of3A_51, %add3A_634 : i32
        %swap3A_636 = arith.index_cast %add3A_635 : i32 to index
        %swap3A_637 = arith.constant 16 : index
        %swap3A_638 = tpu.vector_load %arg8[%swap3A_636, %swap3A_637] {strides = array<i32>} : memref<256x64xf32, #tpu.memory_space<vmem>>, vector<1x16xf32>,
        %swap3A_639 = vector.shape_cast %swap3A_638 : vector<1x16xf32> to vector<16xf32>
        %swap3A_640 = vector.shape_cast %mul3A_633 : vector<16xf32> to vector<1x16xf32>
        tpu.vector_store %arg8[%swap3A_636, %swap3A_637], %swap3A_640 {strides = array<i32>} : memref<256x64xf32, #tpu.memory_space<vmem>>, vector<1x16xf32>,
        %add3A_641 = arith.constant 9 : i32
        %add3A_642 = arith.addi %multiple_of3A_51, %add3A_641 : i32
        %get3A_643 = arith.index_cast %add3A_642 : i32 to index
        %get3A_644 = arith.constant 32 : index
        %get3A_645 = tpu.vector_load %arg7[%get3A_643, %get3A_644] {strides = array<i32>} : memref<256x128xf32, #tpu.memory_space<vmem>>, vector<1x16xf32>,
        %get3A_646 = vector.shape_cast %get3A_645 : vector<1x16xf32> to vector<16xf32>
        %mul3A_647 = vector.broadcast %squeeze3A_610 : f32 to vector<16xf32>
        %mul3A_648 = arith.mulf %get3A_646, %mul3A_647 : vector<16xf32>
        %add3A_649 = arith.constant 9 : i32
        %add3A_650 = arith.addi %multiple_of3A_51, %add3A_649 : i32
        %swap3A_651 = arith.index_cast %add3A_650 : i32 to index
        %swap3A_652 = arith.constant 32 : index
        %swap3A_653 = tpu.vector_load %arg8[%swap3A_651, %swap3A_652] {strides = array<i32>} : memref<256x64xf32, #tpu.memory_space<vmem>>, vector<1x16xf32>,
        %swap3A_654 = vector.shape_cast %swap3A_653 : vector<1x16xf32> to vector<16xf32>
        %swap3A_655 = vector.shape_cast %mul3A_648 : vector<16xf32> to vector<1x16xf32>
        tpu.vector_store %arg8[%swap3A_651, %swap3A_652], %swap3A_655 {strides = array<i32>} : memref<256x64xf32, #tpu.memory_space<vmem>>, vector<1x16xf32>,
        %add3A_656 = arith.constant 9 : i32
        %add3A_657 = arith.addi %multiple_of3A_51, %add3A_656 : i32
        %get3A_658 = arith.index_cast %add3A_657 : i32 to index
        %get3A_659 = arith.constant 48 : index
        %get3A_660 = tpu.vector_load %arg7[%get3A_658, %get3A_659] {strides = array<i32>} : memref<256x128xf32, #tpu.memory_space<vmem>>, vector<1x16xf32>,
        %get3A_661 = vector.shape_cast %get3A_660 : vector<1x16xf32> to vector<16xf32>
        %mul3A_662 = vector.broadcast %squeeze3A_610 : f32 to vector<16xf32>
        %mul3A_663 = arith.mulf %get3A_661, %mul3A_662 : vector<16xf32>
        %add3A_664 = arith.constant 9 : i32
        %add3A_665 = arith.addi %multiple_of3A_51, %add3A_664 : i32
        %swap3A_666 = arith.index_cast %add3A_665 : i32 to index
        %swap3A_667 = arith.constant 48 : index
        %swap3A_668 = tpu.vector_load %arg8[%swap3A_666, %swap3A_667] {strides = array<i32>} : memref<256x64xf32, #tpu.memory_space<vmem>>, vector<1x16xf32>,
        %swap3A_669 = vector.shape_cast %swap3A_668 : vector<1x16xf32> to vector<16xf32>
        %swap3A_670 = vector.shape_cast %mul3A_663 : vector<16xf32> to vector<1x16xf32>
        tpu.vector_store %arg8[%swap3A_666, %swap3A_667], %swap3A_670 {strides = array<i32>} : memref<256x64xf32, #tpu.memory_space<vmem>>, vector<1x16xf32>,
        %slice3A_671 = vector.extract_strided_slice %get3A_53 {offsets = [10], sizes = [1], strides = [1]} : vector<16xf32> to vector<1xf32>
        %squeeze3A_672 = vector.extract %slice3A_671[0] : f32 from vector<1xf32>
        %add3A_673 = arith.constant 10 : i32
        %add3A_674 = arith.addi %multiple_of3A_51, %add3A_673 : i32
        %get3A_675 = arith.index_cast %add3A_674 : i32 to index
        %get3A_676 = arith.constant 0 : index
        %get3A_677 = tpu.vector_load %arg7[%get3A_675, %get3A_676] {strides = array<i32>} : memref<256x128xf32, #tpu.memory_space<vmem>>, vector<1x16xf32>,
        %get3A_678 = vector.shape_cast %get3A_677 : vector<1x16xf32> to vector<16xf32>
        %mul3A_679 = vector.broadcast %squeeze3A_672 : f32 to vector<16xf32>
        %mul3A_680 = arith.mulf %get3A_678, %mul3A_679 : vector<16xf32>
        %add3A_681 = arith.constant 10 : i32
        %add3A_682 = arith.addi %multiple_of3A_51, %add3A_681 : i32
        %swap3A_683 = arith.index_cast %add3A_682 : i32 to index
        %swap3A_684 = arith.constant 0 : index
        %swap3A_685 = tpu.vector_load %arg8[%swap3A_683, %swap3A_684] {strides = array<i32>} : memref<256x64xf32, #tpu.memory_space<vmem>>, vector<1x16xf32>,
        %swap3A_686 = vector.shape_cast %swap3A_685 : vector<1x16xf32> to vector<16xf32>
        %swap3A_687 = vector.shape_cast %mul3A_680 : vector<16xf32> to vector<1x16xf32>
        tpu.vector_store %arg8[%swap3A_683, %swap3A_684], %swap3A_687 {strides = array<i32>} : memref<256x64xf32, #tpu.memory_space<vmem>>, vector<1x16xf32>,
        %add3A_688 = arith.constant 10 : i32
        %add3A_689 = arith.addi %multiple_of3A_51, %add3A_688 : i32
        %get3A_690 = arith.index_cast %add3A_689 : i32 to index
        %get3A_691 = arith.constant 16 : index
        %get3A_692 = tpu.vector_load %arg7[%get3A_690, %get3A_691] {strides = array<i32>} : memref<256x128xf32, #tpu.memory_space<vmem>>, vector<1x16xf32>,
        %get3A_693 = vector.shape_cast %get3A_692 : vector<1x16xf32> to vector<16xf32>
        %mul3A_694 = vector.broadcast %squeeze3A_672 : f32 to vector<16xf32>
        %mul3A_695 = arith.mulf %get3A_693, %mul3A_694 : vector<16xf32>
        %add3A_696 = arith.constant 10 : i32
        %add3A_697 = arith.addi %multiple_of3A_51, %add3A_696 : i32
        %swap3A_698 = arith.index_cast %add3A_697 : i32 to index
        %swap3A_699 = arith.constant 16 : index
        %swap3A_700 = tpu.vector_load %arg8[%swap3A_698, %swap3A_699] {strides = array<i32>} : memref<256x64xf32, #tpu.memory_space<vmem>>, vector<1x16xf32>,
        %swap3A_701 = vector.shape_cast %swap3A_700 : vector<1x16xf32> to vector<16xf32>
        %swap3A_702 = vector.shape_cast %mul3A_695 : vector<16xf32> to vector<1x16xf32>
        tpu.vector_store %arg8[%swap3A_698, %swap3A_699], %swap3A_702 {strides = array<i32>} : memref<256x64xf32, #tpu.memory_space<vmem>>, vector<1x16xf32>,
        %add3A_703 = arith.constant 10 : i32
        %add3A_704 = arith.addi %multiple_of3A_51, %add3A_703 : i32
        %get3A_705 = arith.index_cast %add3A_704 : i32 to index
        %get3A_706 = arith.constant 32 : index
        %get3A_707 = tpu.vector_load %arg7[%get3A_705, %get3A_706] {strides = array<i32>} : memref<256x128xf32, #tpu.memory_space<vmem>>, vector<1x16xf32>,
        %get3A_708 = vector.shape_cast %get3A_707 : vector<1x16xf32> to vector<16xf32>
        %mul3A_709 = vector.broadcast %squeeze3A_672 : f32 to vector<16xf32>
        %mul3A_710 = arith.mulf %get3A_708, %mul3A_709 : vector<16xf32>
        %add3A_711 = arith.constant 10 : i32
        %add3A_712 = arith.addi %multiple_of3A_51, %add3A_711 : i32
        %swap3A_713 = arith.index_cast %add3A_712 : i32 to index
        %swap3A_714 = arith.constant 32 : index
        %swap3A_715 = tpu.vector_load %arg8[%swap3A_713, %swap3A_714] {strides = array<i32>} : memref<256x64xf32, #tpu.memory_space<vmem>>, vector<1x16xf32>,
        %swap3A_716 = vector.shape_cast %swap3A_715 : vector<1x16xf32> to vector<16xf32>
        %swap3A_717 = vector.shape_cast %mul3A_710 : vector<16xf32> to vector<1x16xf32>
        tpu.vector_store %arg8[%swap3A_713, %swap3A_714], %swap3A_717 {strides = array<i32>} : memref<256x64xf32, #tpu.memory_space<vmem>>, vector<1x16xf32>,
        %add3A_718 = arith.constant 10 : i32
        %add3A_719 = arith.addi %multiple_of3A_51, %add3A_718 : i32
        %get3A_720 = arith.index_cast %add3A_719 : i32 to index
        %get3A_721 = arith.constant 48 : index
        %get3A_722 = tpu.vector_load %arg7[%get3A_720, %get3A_721] {strides = array<i32>} : memref<256x128xf32, #tpu.memory_space<vmem>>, vector<1x16xf32>,
        %get3A_723 = vector.shape_cast %get3A_722 : vector<1x16xf32> to vector<16xf32>
        %mul3A_724 = vector.broadcast %squeeze3A_672 : f32 to vector<16xf32>
        %mul3A_725 = arith.mulf %get3A_723, %mul3A_724 : vector<16xf32>
        %add3A_726 = arith.constant 10 : i32
        %add3A_727 = arith.addi %multiple_of3A_51, %add3A_726 : i32
        %swap3A_728 = arith.index_cast %add3A_727 : i32 to index
        %swap3A_729 = arith.constant 48 : index
        %swap3A_730 = tpu.vector_load %arg8[%swap3A_728, %swap3A_729] {strides = array<i32>} : memref<256x64xf32, #tpu.memory_space<vmem>>, vector<1x16xf32>,
        %swap3A_731 = vector.shape_cast %swap3A_730 : vector<1x16xf32> to vector<16xf32>
        %swap3A_732 = vector.shape_cast %mul3A_725 : vector<16xf32> to vector<1x16xf32>
        tpu.vector_store %arg8[%swap3A_728, %swap3A_729], %swap3A_732 {strides = array<i32>} : memref<256x64xf32, #tpu.memory_space<vmem>>, vector<1x16xf32>,
        %slice3A_733 = vector.extract_strided_slice %get3A_53 {offsets = [11], sizes = [1], strides = [1]} : vector<16xf32> to vector<1xf32>
        %squeeze3A_734 = vector.extract %slice3A_733[0] : f32 from vector<1xf32>
        %add3A_735 = arith.constant 11 : i32
        %add3A_736 = arith.addi %multiple_of3A_51, %add3A_735 : i32
        %get3A_737 = arith.index_cast %add3A_736 : i32 to index
        %get3A_738 = arith.constant 0 : index
        %get3A_739 = tpu.vector_load %arg7[%get3A_737, %get3A_738] {strides = array<i32>} : memref<256x128xf32, #tpu.memory_space<vmem>>, vector<1x16xf32>,
        %get3A_740 = vector.shape_cast %get3A_739 : vector<1x16xf32> to vector<16xf32>
        %mul3A_741 = vector.broadcast %squeeze3A_734 : f32 to vector<16xf32>
        %mul3A_742 = arith.mulf %get3A_740, %mul3A_741 : vector<16xf32>
        %add3A_743 = arith.constant 11 : i32
        %add3A_744 = arith.addi %multiple_of3A_51, %add3A_743 : i32
        %swap3A_745 = arith.index_cast %add3A_744 : i32 to index
        %swap3A_746 = arith.constant 0 : index
        %swap3A_747 = tpu.vector_load %arg8[%swap3A_745, %swap3A_746] {strides = array<i32>} : memref<256x64xf32, #tpu.memory_space<vmem>>, vector<1x16xf32>,
        %swap3A_748 = vector.shape_cast %swap3A_747 : vector<1x16xf32> to vector<16xf32>
        %swap3A_749 = vector.shape_cast %mul3A_742 : vector<16xf32> to vector<1x16xf32>
        tpu.vector_store %arg8[%swap3A_745, %swap3A_746], %swap3A_749 {strides = array<i32>} : memref<256x64xf32, #tpu.memory_space<vmem>>, vector<1x16xf32>,
        %add3A_750 = arith.constant 11 : i32
        %add3A_751 = arith.addi %multiple_of3A_51, %add3A_750 : i32
        %get3A_752 = arith.index_cast %add3A_751 : i32 to index
        %get3A_753 = arith.constant 16 : index
        %get3A_754 = tpu.vector_load %arg7[%get3A_752, %get3A_753] {strides = array<i32>} : memref<256x128xf32, #tpu.memory_space<vmem>>, vector<1x16xf32>,
        %get3A_755 = vector.shape_cast %get3A_754 : vector<1x16xf32> to vector<16xf32>
        %mul3A_756 = vector.broadcast %squeeze3A_734 : f32 to vector<16xf32>
        %mul3A_757 = arith.mulf %get3A_755, %mul3A_756 : vector<16xf32>
        %add3A_758 = arith.constant 11 : i32
        %add3A_759 = arith.addi %multiple_of3A_51, %add3A_758 : i32
        %swap3A_760 = arith.index_cast %add3A_759 : i32 to index
        %swap3A_761 = arith.constant 16 : index
        %swap3A_762 = tpu.vector_load %arg8[%swap3A_760, %swap3A_761] {strides = array<i32>} : memref<256x64xf32, #tpu.memory_space<vmem>>, vector<1x16xf32>,
        %swap3A_763 = vector.shape_cast %swap3A_762 : vector<1x16xf32> to vector<16xf32>
        %swap3A_764 = vector.shape_cast %mul3A_757 : vector<16xf32> to vector<1x16xf32>
        tpu.vector_store %arg8[%swap3A_760, %swap3A_761], %swap3A_764 {strides = array<i32>} : memref<256x64xf32, #tpu.memory_space<vmem>>, vector<1x16xf32>,
        %add3A_765 = arith.constant 11 : i32
        %add3A_766 = arith.addi %multiple_of3A_51, %add3A_765 : i32
        %get3A_767 = arith.index_cast %add3A_766 : i32 to index
        %get3A_768 = arith.constant 32 : index
        %get3A_769 = tpu.vector_load %arg7[%get3A_767, %get3A_768] {strides = array<i32>} : memref<256x128xf32, #tpu.memory_space<vmem>>, vector<1x16xf32>,
        %get3A_770 = vector.shape_cast %get3A_769 : vector<1x16xf32> to vector<16xf32>
        %mul3A_771 = vector.broadcast %squeeze3A_734 : f32 to vector<16xf32>
        %mul3A_772 = arith.mulf %get3A_770, %mul3A_771 : vector<16xf32>
        %add3A_773 = arith.constant 11 : i32
        %add3A_774 = arith.addi %multiple_of3A_51, %add3A_773 : i32
        %swap3A_775 = arith.index_cast %add3A_774 : i32 to index
        %swap3A_776 = arith.constant 32 : index
        %swap3A_777 = tpu.vector_load %arg8[%swap3A_775, %swap3A_776] {strides = array<i32>} : memref<256x64xf32, #tpu.memory_space<vmem>>, vector<1x16xf32>,
        %swap3A_778 = vector.shape_cast %swap3A_777 : vector<1x16xf32> to vector<16xf32>
        %swap3A_779 = vector.shape_cast %mul3A_772 : vector<16xf32> to vector<1x16xf32>
        tpu.vector_store %arg8[%swap3A_775, %swap3A_776], %swap3A_779 {strides = array<i32>} : memref<256x64xf32, #tpu.memory_space<vmem>>, vector<1x16xf32>,
        %add3A_780 = arith.constant 11 : i32
        %add3A_781 = arith.addi %multiple_of3A_51, %add3A_780 : i32
        %get3A_782 = arith.index_cast %add3A_781 : i32 to index
        %get3A_783 = arith.constant 48 : index
        %get3A_784 = tpu.vector_load %arg7[%get3A_782, %get3A_783] {strides = array<i32>} : memref<256x128xf32, #tpu.memory_space<vmem>>, vector<1x16xf32>,
        %get3A_785 = vector.shape_cast %get3A_784 : vector<1x16xf32> to vector<16xf32>
        %mul3A_786 = vector.broadcast %squeeze3A_734 : f32 to vector<16xf32>
        %mul3A_787 = arith.mulf %get3A_785, %mul3A_786 : vector<16xf32>
        %add3A_788 = arith.constant 11 : i32
        %add3A_789 = arith.addi %multiple_of3A_51, %add3A_788 : i32
        %swap3A_790 = arith.index_cast %add3A_789 : i32 to index
        %swap3A_791 = arith.constant 48 : index
        %swap3A_792 = tpu.vector_load %arg8[%swap3A_790, %swap3A_791] {strides = array<i32>} : memref<256x64xf32, #tpu.memory_space<vmem>>, vector<1x16xf32>,
        %swap3A_793 = vector.shape_cast %swap3A_792 : vector<1x16xf32> to vector<16xf32>
        %swap3A_794 = vector.shape_cast %mul3A_787 : vector<16xf32> to vector<1x16xf32>
        tpu.vector_store %arg8[%swap3A_790, %swap3A_791], %swap3A_794 {strides = array<i32>} : memref<256x64xf32, #tpu.memory_space<vmem>>, vector<1x16xf32>,
        %slice3A_795 = vector.extract_strided_slice %get3A_53 {offsets = [12], sizes = [1], strides = [1]} : vector<16xf32> to vector<1xf32>
        %squeeze3A_796 = vector.extract %slice3A_795[0] : f32 from vector<1xf32>
        %add3A_797 = arith.constant 12 : i32
        %add3A_798 = arith.addi %multiple_of3A_51, %add3A_797 : i32
        %get3A_799 = arith.index_cast %add3A_798 : i32 to index
        %get3A_800 = arith.constant 0 : index
        %get3A_801 = tpu.vector_load %arg7[%get3A_799, %get3A_800] {strides = array<i32>} : memref<256x128xf32, #tpu.memory_space<vmem>>, vector<1x16xf32>,
        %get3A_802 = vector.shape_cast %get3A_801 : vector<1x16xf32> to vector<16xf32>
        %mul3A_803 = vector.broadcast %squeeze3A_796 : f32 to vector<16xf32>
        %mul3A_804 = arith.mulf %get3A_802, %mul3A_803 : vector<16xf32>
        %add3A_805 = arith.constant 12 : i32
        %add3A_806 = arith.addi %multiple_of3A_51, %add3A_805 : i32
        %swap3A_807 = arith.index_cast %add3A_806 : i32 to index
        %swap3A_808 = arith.constant 0 : index
        %swap3A_809 = tpu.vector_load %arg8[%swap3A_807, %swap3A_808] {strides = array<i32>} : memref<256x64xf32, #tpu.memory_space<vmem>>, vector<1x16xf32>,
        %swap3A_810 = vector.shape_cast %swap3A_809 : vector<1x16xf32> to vector<16xf32>
        %swap3A_811 = vector.shape_cast %mul3A_804 : vector<16xf32> to vector<1x16xf32>
        tpu.vector_store %arg8[%swap3A_807, %swap3A_808], %swap3A_811 {strides = array<i32>} : memref<256x64xf32, #tpu.memory_space<vmem>>, vector<1x16xf32>,
        %add3A_812 = arith.constant 12 : i32
        %add3A_813 = arith.addi %multiple_of3A_51, %add3A_812 : i32
        %get3A_814 = arith.index_cast %add3A_813 : i32 to index
        %get3A_815 = arith.constant 16 : index
        %get3A_816 = tpu.vector_load %arg7[%get3A_814, %get3A_815] {strides = array<i32>} : memref<256x128xf32, #tpu.memory_space<vmem>>, vector<1x16xf32>,
        %get3A_817 = vector.shape_cast %get3A_816 : vector<1x16xf32> to vector<16xf32>
        %mul3A_818 = vector.broadcast %squeeze3A_796 : f32 to vector<16xf32>
        %mul3A_819 = arith.mulf %get3A_817, %mul3A_818 : vector<16xf32>
        %add3A_820 = arith.constant 12 : i32
        %add3A_821 = arith.addi %multiple_of3A_51, %add3A_820 : i32
        %swap3A_822 = arith.index_cast %add3A_821 : i32 to index
        %swap3A_823 = arith.constant 16 : index
        %swap3A_824 = tpu.vector_load %arg8[%swap3A_822, %swap3A_823] {strides = array<i32>} : memref<256x64xf32, #tpu.memory_space<vmem>>, vector<1x16xf32>,
        %swap3A_825 = vector.shape_cast %swap3A_824 : vector<1x16xf32> to vector<16xf32>
        %swap3A_826 = vector.shape_cast %mul3A_819 : vector<16xf32> to vector<1x16xf32>
        tpu.vector_store %arg8[%swap3A_822, %swap3A_823], %swap3A_826 {strides = array<i32>} : memref<256x64xf32, #tpu.memory_space<vmem>>, vector<1x16xf32>,
        %add3A_827 = arith.constant 12 : i32
        %add3A_828 = arith.addi %multiple_of3A_51, %add3A_827 : i32
        %get3A_829 = arith.index_cast %add3A_828 : i32 to index
        %get3A_830 = arith.constant 32 : index
        %get3A_831 = tpu.vector_load %arg7[%get3A_829, %get3A_830] {strides = array<i32>} : memref<256x128xf32, #tpu.memory_space<vmem>>, vector<1x16xf32>,
        %get3A_832 = vector.shape_cast %get3A_831 : vector<1x16xf32> to vector<16xf32>
        %mul3A_833 = vector.broadcast %squeeze3A_796 : f32 to vector<16xf32>
        %mul3A_834 = arith.mulf %get3A_832, %mul3A_833 : vector<16xf32>
        %add3A_835 = arith.constant 12 : i32
        %add3A_836 = arith.addi %multiple_of3A_51, %add3A_835 : i32
        %swap3A_837 = arith.index_cast %add3A_836 : i32 to index
        %swap3A_838 = arith.constant 32 : index
        %swap3A_839 = tpu.vector_load %arg8[%swap3A_837, %swap3A_838] {strides = array<i32>} : memref<256x64xf32, #tpu.memory_space<vmem>>, vector<1x16xf32>,
        %swap3A_840 = vector.shape_cast %swap3A_839 : vector<1x16xf32> to vector<16xf32>
        %swap3A_841 = vector.shape_cast %mul3A_834 : vector<16xf32> to vector<1x16xf32>
        tpu.vector_store %arg8[%swap3A_837, %swap3A_838], %swap3A_841 {strides = array<i32>} : memref<256x64xf32, #tpu.memory_space<vmem>>, vector<1x16xf32>,
        %add3A_842 = arith.constant 12 : i32
        %add3A_843 = arith.addi %multiple_of3A_51, %add3A_842 : i32
        %get3A_844 = arith.index_cast %add3A_843 : i32 to index
        %get3A_845 = arith.constant 48 : index
        %get3A_846 = tpu.vector_load %arg7[%get3A_844, %get3A_845] {strides = array<i32>} : memref<256x128xf32, #tpu.memory_space<vmem>>, vector<1x16xf32>,
        %get3A_847 = vector.shape_cast %get3A_846 : vector<1x16xf32> to vector<16xf32>
        %mul3A_848 = vector.broadcast %squeeze3A_796 : f32 to vector<16xf32>
        %mul3A_849 = arith.mulf %get3A_847, %mul3A_848 : vector<16xf32>
        %add3A_850 = arith.constant 12 : i32
        %add3A_851 = arith.addi %multiple_of3A_51, %add3A_850 : i32
        %swap3A_852 = arith.index_cast %add3A_851 : i32 to index
        %swap3A_853 = arith.constant 48 : index
        %swap3A_854 = tpu.vector_load %arg8[%swap3A_852, %swap3A_853] {strides = array<i32>} : memref<256x64xf32, #tpu.memory_space<vmem>>, vector<1x16xf32>,
        %swap3A_855 = vector.shape_cast %swap3A_854 : vector<1x16xf32> to vector<16xf32>
        %swap3A_856 = vector.shape_cast %mul3A_849 : vector<16xf32> to vector<1x16xf32>
        tpu.vector_store %arg8[%swap3A_852, %swap3A_853], %swap3A_856 {strides = array<i32>} : memref<256x64xf32, #tpu.memory_space<vmem>>, vector<1x16xf32>,
        %slice3A_857 = vector.extract_strided_slice %get3A_53 {offsets = [13], sizes = [1], strides = [1]} : vector<16xf32> to vector<1xf32>
        %squeeze3A_858 = vector.extract %slice3A_857[0] : f32 from vector<1xf32>
        %add3A_859 = arith.constant 13 : i32
        %add3A_860 = arith.addi %multiple_of3A_51, %add3A_859 : i32
        %get3A_861 = arith.index_cast %add3A_860 : i32 to index
        %get3A_862 = arith.constant 0 : index
        %get3A_863 = tpu.vector_load %arg7[%get3A_861, %get3A_862] {strides = array<i32>} : memref<256x128xf32, #tpu.memory_space<vmem>>, vector<1x16xf32>,
        %get3A_864 = vector.shape_cast %get3A_863 : vector<1x16xf32> to vector<16xf32>
        %mul3A_865 = vector.broadcast %squeeze3A_858 : f32 to vector<16xf32>
        %mul3A_866 = arith.mulf %get3A_864, %mul3A_865 : vector<16xf32>
        %add3A_867 = arith.constant 13 : i32
        %add3A_868 = arith.addi %multiple_of3A_51, %add3A_867 : i32
        %swap3A_869 = arith.index_cast %add3A_868 : i32 to index
        %swap3A_870 = arith.constant 0 : index
        %swap3A_871 = tpu.vector_load %arg8[%swap3A_869, %swap3A_870] {strides = array<i32>} : memref<256x64xf32, #tpu.memory_space<vmem>>, vector<1x16xf32>,
        %swap3A_872 = vector.shape_cast %swap3A_871 : vector<1x16xf32> to vector<16xf32>
        %swap3A_873 = vector.shape_cast %mul3A_866 : vector<16xf32> to vector<1x16xf32>
        tpu.vector_store %arg8[%swap3A_869, %swap3A_870], %swap3A_873 {strides = array<i32>} : memref<256x64xf32, #tpu.memory_space<vmem>>, vector<1x16xf32>,
        %add3A_874 = arith.constant 13 : i32
        %add3A_875 = arith.addi %multiple_of3A_51, %add3A_874 : i32
        %get3A_876 = arith.index_cast %add3A_875 : i32 to index
        %get3A_877 = arith.constant 16 : index
        %get3A_878 = tpu.vector_load %arg7[%get3A_876, %get3A_877] {strides = array<i32>} : memref<256x128xf32, #tpu.memory_space<vmem>>, vector<1x16xf32>,
        %get3A_879 = vector.shape_cast %get3A_878 : vector<1x16xf32> to vector<16xf32>
        %mul3A_880 = vector.broadcast %squeeze3A_858 : f32 to vector<16xf32>
        %mul3A_881 = arith.mulf %get3A_879, %mul3A_880 : vector<16xf32>
        %add3A_882 = arith.constant 13 : i32
        %add3A_883 = arith.addi %multiple_of3A_51, %add3A_882 : i32
        %swap3A_884 = arith.index_cast %add3A_883 : i32 to index
        %swap3A_885 = arith.constant 16 : index
        %swap3A_886 = tpu.vector_load %arg8[%swap3A_884, %swap3A_885] {strides = array<i32>} : memref<256x64xf32, #tpu.memory_space<vmem>>, vector<1x16xf32>,
        %swap3A_887 = vector.shape_cast %swap3A_886 : vector<1x16xf32> to vector<16xf32>
        %swap3A_888 = vector.shape_cast %mul3A_881 : vector<16xf32> to vector<1x16xf32>
        tpu.vector_store %arg8[%swap3A_884, %swap3A_885], %swap3A_888 {strides = array<i32>} : memref<256x64xf32, #tpu.memory_space<vmem>>, vector<1x16xf32>,
        %add3A_889 = arith.constant 13 : i32
        %add3A_890 = arith.addi %multiple_of3A_51, %add3A_889 : i32
        %get3A_891 = arith.index_cast %add3A_890 : i32 to index
        %get3A_892 = arith.constant 32 : index
        %get3A_893 = tpu.vector_load %arg7[%get3A_891, %get3A_892] {strides = array<i32>} : memref<256x128xf32, #tpu.memory_space<vmem>>, vector<1x16xf32>,
        %get3A_894 = vector.shape_cast %get3A_893 : vector<1x16xf32> to vector<16xf32>
        %mul3A_895 = vector.broadcast %squeeze3A_858 : f32 to vector<16xf32>
        %mul3A_896 = arith.mulf %get3A_894, %mul3A_895 : vector<16xf32>
        %add3A_897 = arith.constant 13 : i32
        %add3A_898 = arith.addi %multiple_of3A_51, %add3A_897 : i32
        %swap3A_899 = arith.index_cast %add3A_898 : i32 to index
        %swap3A_900 = arith.constant 32 : index
        %swap3A_901 = tpu.vector_load %arg8[%swap3A_899, %swap3A_900] {strides = array<i32>} : memref<256x64xf32, #tpu.memory_space<vmem>>, vector<1x16xf32>,
        %swap3A_902 = vector.shape_cast %swap3A_901 : vector<1x16xf32> to vector<16xf32>
        %swap3A_903 = vector.shape_cast %mul3A_896 : vector<16xf32> to vector<1x16xf32>
        tpu.vector_store %arg8[%swap3A_899, %swap3A_900], %swap3A_903 {strides = array<i32>} : memref<256x64xf32, #tpu.memory_space<vmem>>, vector<1x16xf32>,
        %add3A_904 = arith.constant 13 : i32
        %add3A_905 = arith.addi %multiple_of3A_51, %add3A_904 : i32
        %get3A_906 = arith.index_cast %add3A_905 : i32 to index
        %get3A_907 = arith.constant 48 : index
        %get3A_908 = tpu.vector_load %arg7[%get3A_906, %get3A_907] {strides = array<i32>} : memref<256x128xf32, #tpu.memory_space<vmem>>, vector<1x16xf32>,
        %get3A_909 = vector.shape_cast %get3A_908 : vector<1x16xf32> to vector<16xf32>
        %mul3A_910 = vector.broadcast %squeeze3A_858 : f32 to vector<16xf32>
        %mul3A_911 = arith.mulf %get3A_909, %mul3A_910 : vector<16xf32>
        %add3A_912 = arith.constant 13 : i32
        %add3A_913 = arith.addi %multiple_of3A_51, %add3A_912 : i32
        %swap3A_914 = arith.index_cast %add3A_913 : i32 to index
        %swap3A_915 = arith.constant 48 : index
        %swap3A_916 = tpu.vector_load %arg8[%swap3A_914, %swap3A_915] {strides = array<i32>} : memref<256x64xf32, #tpu.memory_space<vmem>>, vector<1x16xf32>,
        %swap3A_917 = vector.shape_cast %swap3A_916 : vector<1x16xf32> to vector<16xf32>
        %swap3A_918 = vector.shape_cast %mul3A_911 : vector<16xf32> to vector<1x16xf32>
        tpu.vector_store %arg8[%swap3A_914, %swap3A_915], %swap3A_918 {strides = array<i32>} : memref<256x64xf32, #tpu.memory_space<vmem>>, vector<1x16xf32>,
        %slice3A_919 = vector.extract_strided_slice %get3A_53 {offsets = [14], sizes = [1], strides = [1]} : vector<16xf32> to vector<1xf32>
        %squeeze3A_920 = vector.extract %slice3A_919[0] : f32 from vector<1xf32>
        %add3A_921 = arith.constant 14 : i32
        %add3A_922 = arith.addi %multiple_of3A_51, %add3A_921 : i32
        %get3A_923 = arith.index_cast %add3A_922 : i32 to index
        %get3A_924 = arith.constant 0 : index
        %get3A_925 = tpu.vector_load %arg7[%get3A_923, %get3A_924] {strides = array<i32>} : memref<256x128xf32, #tpu.memory_space<vmem>>, vector<1x16xf32>,
        %get3A_926 = vector.shape_cast %get3A_925 : vector<1x16xf32> to vector<16xf32>
        %mul3A_927 = vector.broadcast %squeeze3A_920 : f32 to vector<16xf32>
        %mul3A_928 = arith.mulf %get3A_926, %mul3A_927 : vector<16xf32>
        %add3A_929 = arith.constant 14 : i32
        %add3A_930 = arith.addi %multiple_of3A_51, %add3A_929 : i32
        %swap3A_931 = arith.index_cast %add3A_930 : i32 to index
        %swap3A_932 = arith.constant 0 : index
        %swap3A_933 = tpu.vector_load %arg8[%swap3A_931, %swap3A_932] {strides = array<i32>} : memref<256x64xf32, #tpu.memory_space<vmem>>, vector<1x16xf32>,
        %swap3A_934 = vector.shape_cast %swap3A_933 : vector<1x16xf32> to vector<16xf32>
        %swap3A_935 = vector.shape_cast %mul3A_928 : vector<16xf32> to vector<1x16xf32>
        tpu.vector_store %arg8[%swap3A_931, %swap3A_932], %swap3A_935 {strides = array<i32>} : memref<256x64xf32, #tpu.memory_space<vmem>>, vector<1x16xf32>,
        %add3A_936 = arith.constant 14 : i32
        %add3A_937 = arith.addi %multiple_of3A_51, %add3A_936 : i32
        %get3A_938 = arith.index_cast %add3A_937 : i32 to index
        %get3A_939 = arith.constant 16 : index
        %get3A_940 = tpu.vector_load %arg7[%get3A_938, %get3A_939] {strides = array<i32>} : memref<256x128xf32, #tpu.memory_space<vmem>>, vector<1x16xf32>,
        %get3A_941 = vector.shape_cast %get3A_940 : vector<1x16xf32> to vector<16xf32>
        %mul3A_942 = vector.broadcast %squeeze3A_920 : f32 to vector<16xf32>
        %mul3A_943 = arith.mulf %get3A_941, %mul3A_942 : vector<16xf32>
        %add3A_944 = arith.constant 14 : i32
        %add3A_945 = arith.addi %multiple_of3A_51, %add3A_944 : i32
        %swap3A_946 = arith.index_cast %add3A_945 : i32 to index
        %swap3A_947 = arith.constant 16 : index
        %swap3A_948 = tpu.vector_load %arg8[%swap3A_946, %swap3A_947] {strides = array<i32>} : memref<256x64xf32, #tpu.memory_space<vmem>>, vector<1x16xf32>,
        %swap3A_949 = vector.shape_cast %swap3A_948 : vector<1x16xf32> to vector<16xf32>
        %swap3A_950 = vector.shape_cast %mul3A_943 : vector<16xf32> to vector<1x16xf32>
        tpu.vector_store %arg8[%swap3A_946, %swap3A_947], %swap3A_950 {strides = array<i32>} : memref<256x64xf32, #tpu.memory_space<vmem>>, vector<1x16xf32>,
        %add3A_951 = arith.constant 14 : i32
        %add3A_952 = arith.addi %multiple_of3A_51, %add3A_951 : i32
        %get3A_953 = arith.index_cast %add3A_952 : i32 to index
        %get3A_954 = arith.constant 32 : index
        %get3A_955 = tpu.vector_load %arg7[%get3A_953, %get3A_954] {strides = array<i32>} : memref<256x128xf32, #tpu.memory_space<vmem>>, vector<1x16xf32>,
        %get3A_956 = vector.shape_cast %get3A_955 : vector<1x16xf32> to vector<16xf32>
        %mul3A_957 = vector.broadcast %squeeze3A_920 : f32 to vector<16xf32>
        %mul3A_958 = arith.mulf %get3A_956, %mul3A_957 : vector<16xf32>
        %add3A_959 = arith.constant 14 : i32
        %add3A_960 = arith.addi %multiple_of3A_51, %add3A_959 : i32
        %swap3A_961 = arith.index_cast %add3A_960 : i32 to index
        %swap3A_962 = arith.constant 32 : index
        %swap3A_963 = tpu.vector_load %arg8[%swap3A_961, %swap3A_962] {strides = array<i32>} : memref<256x64xf32, #tpu.memory_space<vmem>>, vector<1x16xf32>,
        %swap3A_964 = vector.shape_cast %swap3A_963 : vector<1x16xf32> to vector<16xf32>
        %swap3A_965 = vector.shape_cast %mul3A_958 : vector<16xf32> to vector<1x16xf32>
        tpu.vector_store %arg8[%swap3A_961, %swap3A_962], %swap3A_965 {strides = array<i32>} : memref<256x64xf32, #tpu.memory_space<vmem>>, vector<1x16xf32>,
        %add3A_966 = arith.constant 14 : i32
        %add3A_967 = arith.addi %multiple_of3A_51, %add3A_966 : i32
        %get3A_968 = arith.index_cast %add3A_967 : i32 to index
        %get3A_969 = arith.constant 48 : index
        %get3A_970 = tpu.vector_load %arg7[%get3A_968, %get3A_969] {strides = array<i32>} : memref<256x128xf32, #tpu.memory_space<vmem>>, vector<1x16xf32>,
        %get3A_971 = vector.shape_cast %get3A_970 : vector<1x16xf32> to vector<16xf32>
        %mul3A_972 = vector.broadcast %squeeze3A_920 : f32 to vector<16xf32>
        %mul3A_973 = arith.mulf %get3A_971, %mul3A_972 : vector<16xf32>
        %add3A_974 = arith.constant 14 : i32
        %add3A_975 = arith.addi %multiple_of3A_51, %add3A_974 : i32
        %swap3A_976 = arith.index_cast %add3A_975 : i32 to index
        %swap3A_977 = arith.constant 48 : index
        %swap3A_978 = tpu.vector_load %arg8[%swap3A_976, %swap3A_977] {strides = array<i32>} : memref<256x64xf32, #tpu.memory_space<vmem>>, vector<1x16xf32>,
        %swap3A_979 = vector.shape_cast %swap3A_978 : vector<1x16xf32> to vector<16xf32>
        %swap3A_980 = vector.shape_cast %mul3A_973 : vector<16xf32> to vector<1x16xf32>
        tpu.vector_store %arg8[%swap3A_976, %swap3A_977], %swap3A_980 {strides = array<i32>} : memref<256x64xf32, #tpu.memory_space<vmem>>, vector<1x16xf32>,
        %slice3A_981 = vector.extract_strided_slice %get3A_53 {offsets = [15], sizes = [1], strides = [1]} : vector<16xf32> to vector<1xf32>
        %squeeze3A_982 = vector.extract %slice3A_981[0] : f32 from vector<1xf32>
        %add3A_983 = arith.constant 15 : i32
        %add3A_984 = arith.addi %multiple_of3A_51, %add3A_983 : i32
        %get3A_985 = arith.index_cast %add3A_984 : i32 to index
        %get3A_986 = arith.constant 0 : index
        %get3A_987 = tpu.vector_load %arg7[%get3A_985, %get3A_986] {strides = array<i32>} : memref<256x128xf32, #tpu.memory_space<vmem>>, vector<1x16xf32>,
        %get3A_988 = vector.shape_cast %get3A_987 : vector<1x16xf32> to vector<16xf32>
        %mul3A_989 = vector.broadcast %squeeze3A_982 : f32 to vector<16xf32>
        %mul3A_990 = arith.mulf %get3A_988, %mul3A_989 : vector<16xf32>
        %add3A_991 = arith.constant 15 : i32
        %add3A_992 = arith.addi %multiple_of3A_51, %add3A_991 : i32
        %swap3A_993 = arith.index_cast %add3A_992 : i32 to index
        %swap3A_994 = arith.constant 0 : index
        %swap3A_995 = tpu.vector_load %arg8[%swap3A_993, %swap3A_994] {strides = array<i32>} : memref<256x64xf32, #tpu.memory_space<vmem>>, vector<1x16xf32>,
        %swap3A_996 = vector.shape_cast %swap3A_995 : vector<1x16xf32> to vector<16xf32>
        %swap3A_997 = vector.shape_cast %mul3A_990 : vector<16xf32> to vector<1x16xf32>
        tpu.vector_store %arg8[%swap3A_993, %swap3A_994], %swap3A_997 {strides = array<i32>} : memref<256x64xf32, #tpu.memory_space<vmem>>, vector<1x16xf32>,
        %add3A_998 = arith.constant 15 : i32
        %add3A_999 = arith.addi %multiple_of3A_51, %add3A_998 : i32
        %get3A_1000 = arith.index_cast %add3A_999 : i32 to index
        %get3A_1001 = arith.constant 16 : index
        %get3A_1002 = tpu.vector_load %arg7[%get3A_1000, %get3A_1001] {strides = array<i32>} : memref<256x128xf32, #tpu.memory_space<vmem>>, vector<1x16xf32>,
        %get3A_1003 = vector.shape_cast %get3A_1002 : vector<1x16xf32> to vector<16xf32>
        %mul3A_1004 = vector.broadcast %squeeze3A_982 : f32 to vector<16xf32>
        %mul3A_1005 = arith.mulf %get3A_1003, %mul3A_1004 : vector<16xf32>
        %add3A_1006 = arith.constant 15 : i32
        %add3A_1007 = arith.addi %multiple_of3A_51, %add3A_1006 : i32
        %swap3A_1008 = arith.index_cast %add3A_1007 : i32 to index
        %swap3A_1009 = arith.constant 16 : index
        %swap3A_1010 = tpu.vector_load %arg8[%swap3A_1008, %swap3A_1009] {strides = array<i32>} : memref<256x64xf32, #tpu.memory_space<vmem>>, vector<1x16xf32>,
        %swap3A_1011 = vector.shape_cast %swap3A_1010 : vector<1x16xf32> to vector<16xf32>
        %swap3A_1012 = vector.shape_cast %mul3A_1005 : vector<16xf32> to vector<1x16xf32>
        tpu.vector_store %arg8[%swap3A_1008, %swap3A_1009], %swap3A_1012 {strides = array<i32>} : memref<256x64xf32, #tpu.memory_space<vmem>>, vector<1x16xf32>,
        %add3A_1013 = arith.constant 15 : i32
        %add3A_1014 = arith.addi %multiple_of3A_51, %add3A_1013 : i32
        %get3A_1015 = arith.index_cast %add3A_1014 : i32 to index
        %get3A_1016 = arith.constant 32 : index
        %get3A_1017 = tpu.vector_load %arg7[%get3A_1015, %get3A_1016] {strides = array<i32>} : memref<256x128xf32, #tpu.memory_space<vmem>>, vector<1x16xf32>,
        %get3A_1018 = vector.shape_cast %get3A_1017 : vector<1x16xf32> to vector<16xf32>
        %mul3A_1019 = vector.broadcast %squeeze3A_982 : f32 to vector<16xf32>
        %mul3A_1020 = arith.mulf %get3A_1018, %mul3A_1019 : vector<16xf32>
        %add3A_1021 = arith.constant 15 : i32
        %add3A_1022 = arith.addi %multiple_of3A_51, %add3A_1021 : i32
        %swap3A_1023 = arith.index_cast %add3A_1022 : i32 to index
        %swap3A_1024 = arith.constant 32 : index
        %swap3A_1025 = tpu.vector_load %arg8[%swap3A_1023, %swap3A_1024] {strides = array<i32>} : memref<256x64xf32, #tpu.memory_space<vmem>>, vector<1x16xf32>,
        %swap3A_1026 = vector.shape_cast %swap3A_1025 : vector<1x16xf32> to vector<16xf32>
        %swap3A_1027 = vector.shape_cast %mul3A_1020 : vector<16xf32> to vector<1x16xf32>
        tpu.vector_store %arg8[%swap3A_1023, %swap3A_1024], %swap3A_1027 {strides = array<i32>} : memref<256x64xf32, #tpu.memory_space<vmem>>, vector<1x16xf32>,
        %add3A_1028 = arith.constant 15 : i32
        %add3A_1029 = arith.addi %multiple_of3A_51, %add3A_1028 : i32
        %get3A_1030 = arith.index_cast %add3A_1029 : i32 to index
        %get3A_1031 = arith.constant 48 : index
        %get3A_1032 = tpu.vector_load %arg7[%get3A_1030, %get3A_1031] {strides = array<i32>} : memref<256x128xf32, #tpu.memory_space<vmem>>, vector<1x16xf32>,
        %get3A_1033 = vector.shape_cast %get3A_1032 : vector<1x16xf32> to vector<16xf32>
        %mul3A_1034 = vector.broadcast %squeeze3A_982 : f32 to vector<16xf32>
        %mul3A_1035 = arith.mulf %get3A_1033, %mul3A_1034 : vector<16xf32>
        %add3A_1036 = arith.constant 15 : i32
        %add3A_1037 = arith.addi %multiple_of3A_51, %add3A_1036 : i32
        %swap3A_1038 = arith.index_cast %add3A_1037 : i32 to index
        %swap3A_1039 = arith.constant 48 : index
        %swap3A_1040 = tpu.vector_load %arg8[%swap3A_1038, %swap3A_1039] {strides = array<i32>} : memref<256x64xf32, #tpu.memory_space<vmem>>, vector<1x16xf32>,
        %swap3A_1041 = vector.shape_cast %swap3A_1040 : vector<1x16xf32> to vector<16xf32>
        %swap3A_1042 = vector.shape_cast %mul3A_1035 : vector<16xf32> to vector<1x16xf32>
        tpu.vector_store %arg8[%swap3A_1038, %swap3A_1039], %swap3A_1042 {strides = array<i32>} : memref<256x64xf32, #tpu.memory_space<vmem>>, vector<1x16xf32>,
      }
      %scan3A_47 = arith.constant 16 : i32
      "tpu.region"() ({
        %run_scoped3A = tpu.sem_alloc : memref<!tpu.dma_semaphore, #tpu.memory_space<semaphore_mem>>
        %dma_start3A_48 = arith.constant 0 : i32
        %dma_start3A_49 = tpu.memref_slice %arg5[%multiple_of3A, %dma_start3A_48] : memref<819200x64xf32, #tpu.memory_space<hbm>> -> memref<256x64xf32, #tpu.memory_space<hbm>>
        %dma_start3A_50 = arith.constant 0 : i32
        %dma_start3A_51 = tpu.memref_slice %arg5[%multiple_of3A, %dma_start3A_50] : memref<819200x64xf32, #tpu.memory_space<hbm>> -> memref<256x64xf32, #tpu.memory_space<hbm>>
        tpu.enqueue_dma source(%arg8 : memref<256x64xf32, #tpu.memory_space<vmem>>) target(%dma_start3A_51 : memref<256x64xf32, #tpu.memory_space<hbm>>) target_semaphore(%run_scoped3A : memref<!tpu.dma_semaphore, #tpu.memory_space<semaphore_mem>>)
        %dma_wait3A_52 = arith.constant 0 : i32
        %dma_wait3A_53 = tpu.memref_slice %arg5[%multiple_of3A, %dma_wait3A_52] : memref<819200x64xf32, #tpu.memory_space<hbm>> -> memref<256x64xf32, #tpu.memory_space<hbm>>
        %dma_wait3A_54 = arith.constant 0 : i32
        %dma_wait3A_55 = tpu.memref_slice %arg5[%multiple_of3A, %dma_wait3A_54] : memref<819200x64xf32, #tpu.memory_space<hbm>> -> memref<256x64xf32, #tpu.memory_space<hbm>>
        tpu.wait_dma2 semaphore(%run_scoped3A : memref<!tpu.dma_semaphore, #tpu.memory_space<semaphore_mem>>) src(%arg8 : memref<256x64xf32, #tpu.memory_space<vmem>>) dst(%dma_wait3A_55 : memref<256x64xf32, #tpu.memory_space<hbm>>)
        tpu.yield
      }) : () -> ()
    }
    %scan3A_7 = arith.constant 100 : i32
    return
  }
}

</mosaic_0001>

<sc_bundles>
// kernel: _sc_gather_scale.3.cloned.1.call-start
scs
__scs_entry_jumppad:
0x0: {  	(pc) =	sbr.rel $0x88, $3  }
0x1: {  	(tag) =	ssettag $0x0;
	lr =	simm.s32 $0x1  }
0x2: {  	[smem:$0x3F9E] =	sst lr;
	_ =	strace $0xD0000000  }
0x3: {  	_ = 	snop  }
0x4: {  	_ = 	snop  }
0x5: {  	_ = 	snop  }
0x6: {  	_ = 	snop  }
0x7: {  	_ = 	snop  }
__scs_overlays_trampoline_lowered:
0x8: {  	[smem:$0x3FAD] =	sst s0  }
0x9: {  	[smem:$0x3FAE] =	sst s1  }
0xa: {  	[smem:$0x3FAF] =	sst s2  }
0xb: {  	[smem:$0x3FB0] =	sst s3  }
0xc: {  	[smem:$0x3FB1] =	sst s4  }
0xd: {  	[smem:$0x3FB2] =	sst s5  }
0xe: {  	[smem:$0x3FB3] =	sst s6  }
0xf: {  	[smem:$0x3FB4] =	sst s7  }
0x10: {  	[smem:$0x3FB5] =	sst s8  }
0x11: {  	[smem:$0x3FB6] =	sst s9;
	s0 =	simm.s32 @!p0 $0x0  }
0x12: {  	s1 =	sld [smem:$0x3F9C];
	s0 =	simm.s32 @p0 $0x1  }
0x13: {  	[smem:$0x3FB7] =	sst s0;
	s0 =	simm.s32 @!p1 $0x0  }
0x14: {  	s2 =	sld [smem:$0x3F9B];
	s0 =	simm.s32 @p1 $0x1  }
0x15: {  	[smem:$0x3FB8] =	sst s0;
	s0 =	simm.s32 @!p2 $0x0  }
0x16: {  	s3 =	sld [smem:$0x3FDB];
	s0 =	simm.s32 @p2 $0x1  }
0x17: {  	s4 =	simm.s32 $0x1BF5;
	[smem:$0x3FBA] =	sst s0  }
0x18: {  	s0 =	sld [smem:$0x3F9D];
	_ =	swait.ge [sflag:s4], $0x0  }
0x19: {  	s7 =	sld [smem:$0x3F9E]  }
0x1a: {  	s8 =	sadd.s32 $0xFFFFE003, lr  }
0x1b: {  	s9 =	sadd.s32 $0xFFFFFEF7, lr;
	s5 =	simm.s32 $0xFFFFFFFF;
	p2 =	slt.u32 s8, $0xFFFFF086  }
0x1c: {  	p1 =	slt.u32 s9, $0xF7A;
	s5 =	simm.s32 @!p2 $0x0  }
0x1d: {  	s5 =	simm.s32 @p1 $0x1;
	p0 =	seq.s32 s7, s2  }
0x1e: {  	s7 =	smul.u32 @!p0 $0xF7A, s2;
	p2 =	seq.s32 @!p0 s5, $0x0  }
0x1f: {  	s9 =	smul.u32 $0xF7A, s1;
	s8 =	simm.s32 @!p0 $0x1BF5;
	p2 =	por !p2, p0  }
0x20: {  	[sflag:s8] =	ssyncset.s32 @!p0 $0xFFFFF086;
	s6 =	sadd.s32 @!p0 s3, s7;
	s7 =	simm.s32 @!p0 $0x108  }
0x21: {  	s3 =	sadd.s32 s3, s9;
	s6 =	sadd.s32 @!p0 $0x88, s6;
	s7 =	simm.s32 @p2 $0x1082  }
0x22: {  	[simem:s7], [sflag:s8] =	dma.local @!p0 [hbm:s6], $0xF7A  }
0x23: {  	s9 =	sor.u32 $0xD0000000, s2;
	s6 =	simm.s32 $0x108;
	_ =	swait.ge @!p0 [sflag:s8], $0x0  }
0x24: {  	s3 =	sadd.s32 $0x88, s3;
	s6 =	simm.s32 @!p1 $0x1082;
	[sflag:s4] =	ssyncset.s32 $0xFFFFF086  }
0x25: {  	[simem:s6], [sflag:s4] =	dma.local [hbm:s3], $0xF7A  }
0x26: {  	[smem:$0x3F9E] =	sst s1;
	(tag) =	ssettag s2;
	_ =	strace s9  }
0x27: {  	s1 =	sld [smem:$0x3FAE]  }
0x28: {  	s2 =	sld [smem:$0x3FAF]  }
0x29: {  	s4 =	sld [smem:$0x3FB1]  }
0x2a: {  	p0 =	seq.s32 s5, $0x0;
	s5 =	sld [smem:$0x3FB2]  }
0x2b: {  	s6 =	sld [smem:$0x3FB3]  }
0x2c: {  	s7 =	sld [smem:$0x3FB4]  }
0x2d: {  	s3 =	simm.s32 $0x108;
	s8 =	sld [smem:$0x3FB5]  }
0x2e: {  	s3 =	simm.s32 @!p0 $0x1082;
	s9 =	sld [smem:$0x3FB6]  }
0x2f: {  	lr =	sadd.s32 s0, s3;
	s0 =	sld [smem:$0x3FAD]  }
0x30: {  	s3 =	sld [smem:$0x3FB0]  }
0x31: {  	[smem:$0x3FB9] =	sst s10  }
0x32: {  	s10 =	sld [smem:$0x3FB7];
	_ =	sdelay $0x3  }
0x33: {  	p0 =	seq.s32 s10, $0x1;
	s10 =	sld [smem:$0x3FB9];
	_ =	sdelay $0x3  }
0x34: {  	[smem:$0x3FB9] =	sst s10  }
0x35: {  	s10 =	sld [smem:$0x3FB8];
	_ =	sdelay $0x3  }
0x36: {  	p1 =	seq.s32 s10, $0x1;
	s10 =	sld [smem:$0x3FB9];
	_ =	sdelay $0x3  }
0x37: {  	[smem:$0x3FB9] =	sst s10  }
0x38: {  	s10 =	sld [smem:$0x3FBA]  }
0x39: {  	_ = 	snop;
	(pc) =	sbr.ind lr, $3  }
0x3a: {  	_ = 	snop  }
0x3b: {  	_ = 	snop  }
0x3c: {  	p2 =	seq.s32 s10, $0x1;
	s10 =	sld [smem:$0x3FB9]  }
0x3d: {  	_ =	shalt  }
0x3e: {  	_ =	shalt  }
0x3f: {  	_ =	shalt  }
0x40: {  	_ =	shalt  }
0x41: {  	_ =	shalt  }
0x42: {  	_ =	shalt  }
0x43: {  	_ =	shalt  }
0x44: {  	_ =	shalt  }
0x45: {  	_ =	shalt  }
0x46: {  	_ =	shalt  }
0x47: {  	_ =	shalt  }
0x48: {  	_ =	shalt  }
0x49: {  	_ =	shalt  }
0x4a: {  	_ =	shalt  }
0x4b: {  	_ =	shalt  }
0x4c: {  	_ =	shalt  }
0x4d: {  	_ =	shalt  }
0x4e: {  	_ =	shalt  }
0x4f: {  	_ =	shalt  }
0x50: {  	_ =	shalt  }
0x51: {  	_ =	shalt  }
0x52: {  	_ =	shalt  }
0x53: {  	_ =	shalt  }
0x54: {  	_ =	shalt  }
0x55: {  	_ =	shalt  }
0x56: {  	_ =	shalt  }
0x57: {  	_ =	shalt  }
0x58: {  	_ =	shalt  }
0x59: {  	_ =	shalt  }
0x5a: {  	_ =	shalt  }
0x5b: {  	_ =	shalt  }
0x5c: {  	_ =	shalt  }
0x5d: {  	_ =	shalt  }
0x5e: {  	_ =	shalt  }
0x5f: {  	_ =	shalt  }
0x60: {  	_ =	shalt  }
0x61: {  	_ =	shalt  }
0x62: {  	_ =	shalt  }
0x63: {  	_ =	shalt  }
0x64: {  	_ =	shalt  }
0x65: {  	_ =	shalt  }
0x66: {  	_ =	shalt  }
0x67: {  	_ =	shalt  }
0x68: {  	_ =	shalt  }
0x69: {  	_ =	shalt  }
0x6a: {  	_ =	shalt  }
0x6b: {  	_ =	shalt  }
0x6c: {  	_ =	shalt  }
0x6d: {  	_ =	shalt  }
0x6e: {  	_ =	shalt  }
0x6f: {  	_ =	shalt  }
0x70: {  	_ =	shalt  }
0x71: {  	_ =	shalt  }
0x72: {  	_ =	shalt  }
0x73: {  	_ =	shalt  }
0x74: {  	_ =	shalt  }
0x75: {  	_ =	shalt  }
0x76: {  	_ =	shalt  }
0x77: {  	_ =	shalt  }
0x78: {  	_ =	shalt  }
0x79: {  	_ =	shalt  }
0x7a: {  	_ =	shalt  }
0x7b: {  	_ =	shalt  }
0x7c: {  	_ =	shalt  }
0x7d: {  	_ =	shalt  }
0x7e: {  	_ =	shalt  }
0x7f: {  	_ =	shalt  }
0x80: {  	_ =	shalt  }
0x81: {  	_ =	shalt  }
0x82: {  	_ =	shalt  }
0x83: {  	_ =	shalt  }
0x84: {  	_ =	shalt  }
0x85: {  	_ =	shalt  }
0x86: {  	_ =	shalt  }
0x87: {  	_ =	shalt  }
.Lfunc_end0:
.L_simem_size_0:
called_computation_lowered:
.L_overlay_start_0:
0x88: {  	s2 =	sld [smem:$0x3FD9]  }
0x89: {  	s3 =	sld [smem:$0x3FFE];
	_ =	sdelay $0x1  }
0x8a: {  	s1 =	srdreg.scid  }
0x8b: {  	s0 =	sand.u32 $0x1, s1  }
0x8c: {  	s17 =	sshll.u32 s0, $0xA;
	s2 =	sadd.s32 s3, s2  }
0x8d: {  	s2 =	sadd.s32 s2, s17  }
0x8e: {  	[smem:$0x3FC5] =	sst s2  }
0x8f: {  	_ = 	snop  }
0x90: {  	s2 =	sld [smem:$0x3FC9]  }
0x91: {  	s18 =	sld [smem:$0x3FC8]  }
0x92: {  	s4 =	sld [smem:$0x3FC7];
	(tm) =	ssettm $0x1  }
0x93: {  	s5 =	sld [smem:$0x3FFB];
	_ =	sdelay $0x3  }
0x94: {  	_ =	strace s5  }
0x95: {  	s5 =	sld [smem:$0x3FFC];
	_ =	sdelay $0x3  }
0x96: {  	_ =	strace s5  }
0x97: {  	s5 =	sld [smem:$0x3FFD];
	_ =	sdelay $0x3  }
0x98: {  	_ =	strace s5  }
0x99: {  	_ =	strace $0x8FFFFFFF  }
0x9a: {  	s19 =	sld [smem:$0x3FDB];
	_ =	sdelay $0x1  }
0x9b: {  	s6 =	simm.s32 $_scs_section_size  }
0x9c: {  	s7 =	simm.s32 $_size__tile_overlayer_lowered;
	s8 =	simm.s32 $_tile_overlayer_lowered  }
0x9d: {  	s22 =	simm.s32 $0x1BFF;
	s21 =	sshll.u32 s8, $0x1;
	s5 =	sadd.s32 s6, s19  }
0x9e: {  	s9 =	simm.s32 $0x0;
	s20 =	sshll.u32 s7, $0x1;
	s7 =	sadd.s32 s21, s5  }
0x9f: {  	[timem:s9], [sflag:s22] =	dma.local [hbm:s7], s20  }
0xa0: {  	_ =	swait.ge [sflag:s22], s20  }
0xa1: {  	s6 =	ssub.s32 $0x0, s20;
	[sflag:s22] =	ssyncset.done $0x0  }
0xa2: {  	[sflag:s22] =	ssyncadd.s32 s6;
	_ =	sdelay $0x1  }
0xa3: {  	s23 =	simm.s32 $0x1B8B  }
0xa4: {  	_ =	swait.ge [sflag:s23], $0x1  }
0xa5: {  	[sflag:s23] =	ssyncset.done $0x0  }
0xa6: {  	s25 =	simm.s32 $0x1B8E;
	s24 =	sld [smem:$0x3FFE];
	[sflag:s23] =	ssyncadd.s32 $0xFFFFFFFF  }
0xa7: {  	s26 =	simm.s32 $execute0_lowered;
	[smem:$0x3FD2] =	sst s25  }
0xa8: {  	s7 =	sshll.u32 s26, $0x1;
	_ =	strace $0x80000046;
	[dreg:$0x1] =	wrdreg $0xFFFFFFFF  }
0xa9: {  	s28 =	simm.s32 $_size_execute0_lowered;
	s5 =	sadd.s32 s5, s7;
	[dreg:$0x0] =	wrdreg $0x0  }
0xaa: {  	s7 =	sshll.u32 s28, $0x1;
	[dreg:$0x2] =	wrdreg s5  }
0xab: {  	[dreg:$0x3] =	wrdreg s7  }
0xac: {  	[dreg:$0x4] =	wrdreg $0xC0  }
0xad: {  	_ =	task [dreg:s9], $0x5FFFF  }
0xae: {  	[dreg:$0x1] =	wrdreg $0xFFFFFFFF  }
0xaf: {  	[dreg:$0x0] =	wrdreg $0x60  }
0xb0: {  	[dreg:$0x2] =	wrdreg s2  }
0xb1: {  	[dreg:$0x3] =	wrdreg s18  }
0xb2: {  	[dreg:$0x4] =	wrdreg s4  }
0xb3: {  	[dreg:$0x5] =	wrdreg s24  }
0xb4: {  	[dreg:$0x6] =	wrdreg $0x9  }
0xb5: {  	_ =	task.clear_ibuf [dreg:s9], $0x7FFFF;
	_ =	strace $0x90000046  }
0xb6: {  	s29 =	simm.s32 $0x9;
	_ =	strace $0x80000048  }
0xb7: {  	_ =	swait.ge [sflag:s29], $0x1  }
0xb8: {  	[sflag:s29] =	ssyncadd.s32 $0xFFFFFFFF  }
0xb9: {  	_ =	strace $0x90000048  }
0xba: {  	_ =	sfence  }
0xbb: {  	s30 =	sld [smem:$0x0];
	_ =	sdelay $0x2  }
0xbc: {  	s31 =	sshll.u32 s1, $0xD;
	s1 =	sshrl.u32 s1, $0x2  }
0xbd: {  	s3 =	sand.u32 $0x4000, s31;
	s1 =	sadd.s32 s1, s30  }
0xbe: {  	s0 =	sor.u32 s3, s0;
	s1 =	sshll.u32 s1, $0x11  }
0xbf: {  	s0 =	sor.u32 s1, s0  }
0xc0: {  	s0 =	sadd.s32 $0x8F2B, s0  }
0xc1: {  	[sflag:s0] =	ssyncadd.remote.s32 $0x1  }
0xc2: {  	_ =	sfence.sel $0xFFFF  }
0xc3: {  	[dreg:$0x0] =	wrdreg $0xFFFFFFFF;
	(pc) =	sbr.abs _section_cstart, $3  }
0xc4: {  	[dreg:$0x1] =	wrdreg $0xFFFFFFFF  }
0xc5: {  	_ =	task.clear_ibuf [dreg:s9], $0x2FFFF;
	_ =	strace $0x9FFFFFFF  }
0xc6: {  	(tm) =	ssettm $0x7FFFFFFF  }
0xc7: {  	_ =	shalt  }
tec
execute0_lowered:
.L_overlay_start_1:
0x0: {  	(tag) =	ssettag $0x1  }
0x1: {  	s1 =	rddreg [dreg:$0x0]  }
0x2: {  	s2 =	rddreg [dreg:$0x1]  }
0x3: {  	s3 =	rddreg [dreg:$0x2]  }
0x4: {  	s6 =	rddreg [dreg:$0x3];
	s4 =	srdreg.scid  }
0x5: {  	s0 =	rddreg [dreg:$0x4];
	s5 =	simm.s32 $0x0;
	s11 =	simm.s32 $0x100  }
0x6: {  	s12 =	simm.s32 $0x4100;
	s13 =	simm.s32 $0x1;
	s14 =	simm.s32 $0x8100  }
0x7: {  	s15 =	simm.s32 $0x0;
	s7 =	sand.u32 $0x1, s4;
	[smem:$0x7FF] =	sst s5  }
0x8: {  	s4 =	stileid.u32;
	s6 =	sadd.s32 $0x400, s6;
	s8 =	ssub.s32 $0x2, s7  }
0x9: {  	_ =	strace $0x80000047;
	s10 =	sshll.u32 s4, $0x1;
	s9 =	sshrl.u32 s8, $0x1  }
0xa: {  	s7 =	sor.u32 s7, s10;
	s10 =	simm.s32 $0x80;
	s8 =	ssub.s32 s8, s9  }
0xb: {  	s7 =	smul.u32 $0x6400, s7;
	s9 =	simm.s32 $0x2;
	s8 =	smax.u32 s8, $0x1  }
.LBB2_1:
0xc: {  	s16 =	simm.s32 $0x0  }
.LBB2_2:
0xd: {  	s17 =	sshll.u32 s16, $0x8  }
0xe: {  	s17 =	sadd.s32 s7, s17  }
0xf: {  	s18 =	sshrl.u32 s17, $0x3  }
0x10: {  	s20 =	simm.s32 $0x0;
	s19 =	sadd.s32 s2, s18  }
0x11: {  	[tilespmem:s20], [sflag:$0x2] =	stream.linear.gather [hbm4b:s19+s20], $0x100, $0x38;
	[tilespmem:$0x10200] =	vst v63  }
0x12: {  	_ =	swait.ge [sflag:s9], $0x100  }
0x13: {  	[sflag:s9] =	ssyncset.done $0x0  }
0x14: {  	s18 =	sadd.s32 s3, s18;
	s19 =	simm.s32 $0x10100;
	[sflag:s9] =	ssyncadd.s32 $0xFFFFFF00  }
0x15: {  	[tilespmem:s19], [sflag:$0x2] =	stream.linear.gather [hbm4b:s18+s20], $0x100, $0x38;
	[tilespmem:$0x10200] =	vst v63  }
0x16: {  	_ =	swait.ge [sflag:s9], $0x100  }
0x17: {  	[sflag:s9] =	ssyncset.done $0x0  }
0x18: {  	[sflag:s9] =	ssyncadd.s32 $0xFFFFFF00  }
0x19: {  	[tilespmem:s11], [sflag:$0x1] =	stream.indirect.gather [hbm4b:s1+s10], $0x80, s20, s10, $0xb8;
	[tilespmem:$0x10200] =	vst v63  }
0x1a: {  	_ = 	snop  }
0x1b: {  	[tilespmem:s12], [sflag:$0x1] =	stream.indirect.gather [hbm4b:s1+s10], $0x80, s10, s10, $0xb8;
	[tilespmem:$0x10200] =	vst v63  }
0x1c: {  	_ =	swait.ge [sflag:s13], $0x4000  }
0x1d: {  	[sflag:s13] =	ssyncset.done $0x0  }
0x1e: {  	[sflag:s13] =	ssyncadd.s32 $0xFFFFC000  }
0x1f: {  	_ =	swait.ge [sflag:s13], $0x4000  }
0x20: {  	[sflag:s13] =	ssyncset.done $0x0  }
0x21: {  	s18 =	simm.s32 $0x0;
	[sflag:s13] =	ssyncadd.s32 $0xFFFFC000  }
0x22: {  	v24 =	vld [tilespmem:s18+$0x100]  }
0x23: {  	v25 =	vld [tilespmem:s18+$0x110]  }
0x24: {  	v23 =	vld [tilespmem:s18+$0x120]  }
0x25: {  	v22 =	vld [tilespmem:s18+$0x130]  }
0x26: {  	v20 =	vld [tilespmem:s18+$0x180]  }
0x27: {  	v21 =	vld [tilespmem:s18+$0x190]  }
0x28: {  	v19 =	vld [tilespmem:s18+$0x1A0]  }
0x29: {  	v18 =	vld [tilespmem:s18+$0x1B0]  }
0x2a: {  	v16 =	vld [tilespmem:s18+$0x200]  }
0x2b: {  	v17 =	vld [tilespmem:s18+$0x210]  }
0x2c: {  	v15 =	vld [tilespmem:s18+$0x220]  }
0x2d: {  	v14 =	vld [tilespmem:s18+$0x230]  }
0x2e: {  	v12 =	vld [tilespmem:s18+$0x280]  }
0x2f: {  	v13 =	vld [tilespmem:s18+$0x290]  }
0x30: {  	v10 =	vld [tilespmem:s18+$0x2A0]  }
0x31: {  	v11 =	vld [tilespmem:s18+$0x2B0]  }
0x32: {  	v8 =	vld [tilespmem:s18+$0x300]  }
0x33: {  	v9 =	vld [tilespmem:s18+$0x310]  }
0x34: {  	v7 =	vld [tilespmem:s18+$0x320]  }
0x35: {  	v6 =	vld [tilespmem:s18+$0x330]  }
0x36: {  	v4 =	vld [tilespmem:s18+$0x380]  }
0x37: {  	v5 =	vld [tilespmem:s18+$0x390]  }
0x38: {  	v3 =	vld [tilespmem:s18+$0x3A0]  }
0x39: {  	v2 =	vld [tilespmem:s18+$0x3B0]  }
0x3a: {  	v1 =	vld [tilespmem:s18+$0x400]  }
0x3b: {  	s20 =	simm.s32 $0x2000;
	v0 =	vld [tilespmem:s19+$0x0]  }
.LBB2_3:
0x3c: {  	p0 =	sne.s32 s20, $0x1E000;
	v26 =	vld [tilespmem:s18+$0x410]  }
0x3d: {  	v27 =	vld [tilespmem:s18+$0x420]  }
0x3e: {  	v28 =	vld [tilespmem:s18+$0x430]  }
0x3f: {  	v29 =	vld [tilespmem:s18+$0x480]  }
0x40: {  	v30 =	vbroadcast v0, $0x0;
	v31 =	vbroadcast v0, $0x1;
	v32 =	vld [tilespmem:s18+$0x490]  }
0x41: {  	v33 =	vbroadcast v0, $0x2;
	v34 =	vbroadcast v0, $0x3;
	v35 =	vld [tilespmem:s18+$0x4A0]  }
0x42: {  	v24 =	vmul.f32 v30, v24;
	v25 =	vmul.f32 v25, v30;
	v36 =	vld [tilespmem:s18+$0x4B0]  }
0x43: {  	v23 =	vmul.f32 v23, v30;
	v22 =	vmul.f32 v22, v30;
	v30 =	vld [tilespmem:s18+$0x500]  }
0x44: {  	v20 =	vmul.f32 v20, v31;
	v21 =	vmul.f32 v21, v31;
	[tilespmem:s18+$0x8100] =	vst v24;
	v24 =	vld [tilespmem:s18+$0x510]  }
0x45: {  	v19 =	vmul.f32 v19, v31;
	v18 =	vmul.f32 v18, v31;
	[tilespmem:s18+$0x8110] =	vst v25;
	v25 =	vld [tilespmem:s18+$0x520]  }
0x46: {  	v16 =	vmul.f32 v16, v33;
	v17 =	vmul.f32 v17, v33;
	[tilespmem:s18+$0x8120] =	vst v23;
	v23 =	vld [tilespmem:s18+$0x530]  }
0x47: {  	v15 =	vmul.f32 v15, v33;
	v14 =	vmul.f32 v14, v33;
	[tilespmem:s18+$0x8130] =	vst v22;
	v22 =	vld [tilespmem:s18+$0x580]  }
0x48: {  	v12 =	vmul.f32 v12, v34;
	v13 =	vmul.f32 v13, v34;
	[tilespmem:s18+$0x8180] =	vst v20;
	v20 =	vld [tilespmem:s18+$0x590]  }
0x49: {  	v10 =	vmul.f32 v10, v34;
	v11 =	vmul.f32 v11, v34;
	[tilespmem:s18+$0x8190] =	vst v21;
	v21 =	vld [tilespmem:s18+$0x5A0]  }
0x4a: {  	v31 =	vbroadcast v0, $0x5;
	[tilespmem:s18+$0x81A0] =	vst v19;
	v19 =	vbroadcast v0, $0x4;
	v33 =	vld [tilespmem:s18+$0x5B0]  }
0x4b: {  	v34 =	vbroadcast v0, $0x7;
	[tilespmem:s18+$0x81B0] =	vst v18;
	v18 =	vbroadcast v0, $0x6;
	v37 =	vld [tilespmem:s18+$0x600]  }
0x4c: {  	[tilespmem:s18+$0x8200] =	vst v16;
	v8 =	vmul.f32 v8, v19;
	v9 =	vmul.f32 v9, v19;
	v16 =	vld [tilespmem:s18+$0x610]  }
0x4d: {  	v7 =	vmul.f32 v7, v19;
	v6 =	vmul.f32 v6, v19;
	[tilespmem:s18+$0x8210] =	vst v17;
	v17 =	vld [tilespmem:s18+$0x620]  }
0x4e: {  	v4 =	vmul.f32 v4, v31;
	v5 =	vmul.f32 v5, v31;
	[tilespmem:s18+$0x8220] =	vst v15;
	v15 =	vld [tilespmem:s18+$0x630]  }
0x4f: {  	v3 =	vmul.f32 v3, v31;
	v2 =	vmul.f32 v2, v31;
	[tilespmem:s18+$0x8230] =	vst v14;
	v14 =	vld [tilespmem:s18+$0x680]  }
0x50: {  	v1 =	vmul.f32 v1, v18;
	[tilespmem:s18+$0x8280] =	vst v12;
	v12 =	vmul.f32 v26, v18;
	v19 =	vld [tilespmem:s18+$0x690]  }
0x51: {  	[tilespmem:s18+$0x8290] =	vst v13;
	v13 =	vmul.f32 v27, v18;
	v18 =	vmul.f32 v28, v18;
	v26 =	vld [tilespmem:s18+$0x6A0]  }
0x52: {  	v27 =	vmul.f32 v32, v34;
	[tilespmem:s18+$0x82A0] =	vst v10;
	v10 =	vmul.f32 v29, v34;
	v28 =	vld [tilespmem:s18+$0x6B0]  }
0x53: {  	v29 =	vmul.f32 v36, v34;
	[tilespmem:s18+$0x82B0] =	vst v11;
	v11 =	vmul.f32 v35, v34;
	v31 =	vld [tilespmem:s18+$0x700]  }
0x54: {  	v32 =	vbroadcast v0, $0x9;
	[tilespmem:s18+$0x8300] =	vst v8;
	v8 =	vbroadcast v0, $0x8;
	v34 =	vld [tilespmem:s18+$0x710]  }
0x55: {  	v35 =	vbroadcast v0, $0xB;
	[tilespmem:s18+$0x8310] =	vst v9;
	v9 =	vbroadcast v0, $0xA;
	v36 =	vld [tilespmem:s18+$0x720]  }
0x56: {  	[tilespmem:s18+$0x8320] =	vst v7;
	v7 =	vmul.f32 v30, v8;
	v24 =	vmul.f32 v24, v8;
	v30 =	vld [tilespmem:s18+$0x730]  }
0x57: {  	[tilespmem:s18+$0x8330] =	vst v6;
	v6 =	vmul.f32 v25, v8;
	v8 =	vmul.f32 v23, v8;
	v23 =	vld [tilespmem:s18+$0x780]  }
0x58: {  	v20 =	vmul.f32 v20, v32;
	[tilespmem:s18+$0x8380] =	vst v4;
	v4 =	vmul.f32 v22, v32;
	v22 =	vld [tilespmem:s18+$0x790]  }
0x59: {  	[tilespmem:s18+$0x8390] =	vst v5;
	v5 =	vmul.f32 v21, v32;
	v21 =	vmul.f32 v33, v32;
	v25 =	vld [tilespmem:s18+$0x7A0]  }
0x5a: {  	v16 =	vmul.f32 v16, v9;
	[tilespmem:s18+$0x83A0] =	vst v3;
	v3 =	vmul.f32 v37, v9;
	v32 =	vld [tilespmem:s18+$0x7B0]  }
0x5b: {  	[tilespmem:s18+$0x83B0] =	vst v2;
	v2 =	vmul.f32 v17, v9;
	v9 =	vmul.f32 v15, v9;
	v15 =	vld [tilespmem:s18+$0x800]  }
0x5c: {  	[tilespmem:s18+$0x8400] =	vst v1;
	v1 =	vmul.f32 v14, v35;
	v14 =	vmul.f32 v19, v35;
	v17 =	vld [tilespmem:s18+$0x810]  }
0x5d: {  	[tilespmem:s18+$0x8410] =	vst v12;
	v12 =	vmul.f32 v26, v35;
	v26 =	vmul.f32 v28, v35;
	v19 =	vld [tilespmem:s18+$0x820]  }
0x5e: {  	v28 =	vbroadcast v0, $0xD;
	[tilespmem:s18+$0x8420] =	vst v13;
	v13 =	vbroadcast v0, $0xC;
	v33 =	vld [tilespmem:s18+$0x830]  }
0x5f: {  	[tilespmem:s18+$0x8430] =	vst v18;
	v18 =	vbroadcast v0, $0xE;
	v35 =	vld [tilespmem:s18+$0x880];
	v0 =	vbroadcast v0, $0xF  }
0x60: {  	[tilespmem:s18+$0x8480] =	vst v10;
	v10 =	vmul.f32 v31, v13;
	v31 =	vmul.f32 v34, v13;
	v34 =	vld [tilespmem:s18+$0x890]  }
0x61: {  	[tilespmem:s18+$0x8490] =	vst v27;
	v27 =	vmul.f32 v36, v13;
	v13 =	vmul.f32 v30, v13;
	v30 =	vld [tilespmem:s18+$0x8A0]  }
0x62: {  	v36 =	vmul.f32 v22, v28;
	[tilespmem:s18+$0x84A0] =	vst v11;
	v11 =	vmul.f32 v23, v28;
	v22 =	vld [tilespmem:s18+$0x8B0]  }
0x63: {  	[tilespmem:s18+$0x84B0] =	vst v29;
	v29 =	vmul.f32 v25, v28;
	v28 =	vmul.f32 v32, v28  }
0x64: {  	v32 =	vmul.f32 v17, v18;
	[tilespmem:s18+$0x8500] =	vst v7;
	v7 =	vmul.f32 v15, v18  }
0x65: {  	v37 =	vmul.f32 v19, v18;
	v33 =	vmul.f32 v33, v18;
	[tilespmem:s18+$0x8510] =	vst v24  }
0x66: {  	v35 =	vmul.f32 v35, v0;
	v34 =	vmul.f32 v34, v0;
	[tilespmem:s18+$0x8520] =	vst v6  }
0x67: {  	v30 =	vmul.f32 v30, v0;
	[tilespmem:s18+$0x8530] =	vst v8;
	v0 =	vmul.f32 v22, v0  }
0x68: {  	[tilespmem:s18+$0x8580] =	vst v4  }
0x69: {  	[tilespmem:s18+$0x8590] =	vst v20  }
0x6a: {  	s21 =	sshra.s32 s20, $0x2;
	[tilespmem:s18+$0x85A0] =	vst v5  }
0x6b: {  	v24 =	vld [tilespmem:s21+$0x100];
	[tilespmem:s18+$0x85B0] =	vst v21  }
0x6c: {  	v25 =	vld [tilespmem:s21+$0x110];
	[tilespmem:s18+$0x8600] =	vst v3  }
0x6d: {  	v23 =	vld [tilespmem:s21+$0x120];
	[tilespmem:s18+$0x8610] =	vst v16  }
0x6e: {  	v22 =	vld [tilespmem:s21+$0x130];
	[tilespmem:s18+$0x8620] =	vst v2  }
0x6f: {  	v20 =	vld [tilespmem:s21+$0x180];
	[tilespmem:s18+$0x8630] =	vst v9  }
0x70: {  	v21 =	vld [tilespmem:s21+$0x190];
	[tilespmem:s18+$0x8680] =	vst v1  }
0x71: {  	v19 =	vld [tilespmem:s21+$0x1A0];
	[tilespmem:s18+$0x8690] =	vst v14  }
0x72: {  	v18 =	vld [tilespmem:s21+$0x1B0];
	[tilespmem:s18+$0x86A0] =	vst v12  }
0x73: {  	v16 =	vld [tilespmem:s21+$0x200];
	[tilespmem:s18+$0x86B0] =	vst v26  }
0x74: {  	v17 =	vld [tilespmem:s21+$0x210];
	[tilespmem:s18+$0x8700] =	vst v10  }
0x75: {  	v15 =	vld [tilespmem:s21+$0x220];
	[tilespmem:s18+$0x8710] =	vst v31  }
0x76: {  	v14 =	vld [tilespmem:s21+$0x230];
	[tilespmem:s18+$0x8720] =	vst v27  }
0x77: {  	v12 =	vld [tilespmem:s21+$0x280];
	[tilespmem:s18+$0x8730] =	vst v13  }
0x78: {  	v13 =	vld [tilespmem:s21+$0x290];
	[tilespmem:s18+$0x8780] =	vst v11  }
0x79: {  	v10 =	vld [tilespmem:s21+$0x2A0];
	[tilespmem:s18+$0x8790] =	vst v36  }
0x7a: {  	v11 =	vld [tilespmem:s21+$0x2B0];
	[tilespmem:s18+$0x87A0] =	vst v29  }
0x7b: {  	v8 =	vld [tilespmem:s21+$0x300];
	[tilespmem:s18+$0x87B0] =	vst v28  }
0x7c: {  	v9 =	vld [tilespmem:s21+$0x310];
	[tilespmem:s18+$0x8800] =	vst v7  }
0x7d: {  	v7 =	vld [tilespmem:s21+$0x320];
	[tilespmem:s18+$0x8810] =	vst v32  }
0x7e: {  	v6 =	vld [tilespmem:s21+$0x330];
	[tilespmem:s18+$0x8820] =	vst v37  }
0x7f: {  	v4 =	vld [tilespmem:s21+$0x380];
	[tilespmem:s18+$0x8830] =	vst v33  }
.Ltmp0:
0x80: {  	v5 =	vld [tilespmem:s21+$0x390];
	[tilespmem:s18+$0x8880] =	vst v35;
	(pc) =	sbr.rel @p0 .LBB2_3-.Ltmp0, $4  }
0x81: {  	v3 =	vld [tilespmem:s21+$0x3A0];
	[tilespmem:s18+$0x8890] =	vst v34  }
0x82: {  	v2 =	vld [tilespmem:s21+$0x3B0];
	[tilespmem:s18+$0x88A0] =	vst v30  }
0x83: {  	s19 =	sadd.s32 $0x10, s19;
	v1 =	vld [tilespmem:s21+$0x400];
	[tilespmem:s18+$0x88B0] =	vst v0;
	s18 =	smov.u32 s21  }
0x84: {  	s20 =	sadd.s32 $0x2000, s20;
	v0 =	vld [tilespmem:s19+$0x0]  }
0x85: {  	_ =	sdelay $0x3  }
0x86: {  	v30 =	vbroadcast v0, $0x0;
	_ =	sdelay $0x1  }
0x87: {  	v24 =	vmul.f32 v30, v24  }
0x88: {  	v25 =	vmul.f32 v25, v30  }
0x89: {  	v35 =	vbroadcast v0, $0x1;
	v23 =	vmul.f32 v23, v30;
	[tilespmem:s18+$0x8100] =	vst v24  }
0x8a: {  	v22 =	vmul.f32 v22, v30;
	[tilespmem:s18+$0x8110] =	vst v25  }
0x8b: {  	v20 =	vmul.f32 v20, v35;
	[tilespmem:s18+$0x8120] =	vst v23  }
0x8c: {  	v21 =	vmul.f32 v21, v35;
	[tilespmem:s18+$0x8130] =	vst v22  }
0x8d: {  	v53 =	vbroadcast v0, $0x2;
	v19 =	vmul.f32 v19, v35;
	[tilespmem:s18+$0x8180] =	vst v20  }
0x8e: {  	v18 =	vmul.f32 v18, v35;
	[tilespmem:s18+$0x8190] =	vst v21  }
0x8f: {  	v16 =	vmul.f32 v16, v53;
	[tilespmem:s18+$0x81A0] =	vst v19  }
0x90: {  	v17 =	vmul.f32 v17, v53;
	[tilespmem:s18+$0x81B0] =	vst v18  }
0x91: {  	v54 =	vbroadcast v0, $0x3;
	v15 =	vmul.f32 v15, v53;
	[tilespmem:s18+$0x8200] =	vst v16  }
0x92: {  	v14 =	vmul.f32 v14, v53;
	[tilespmem:s18+$0x8210] =	vst v17  }
0x93: {  	v12 =	vmul.f32 v12, v54;
	[tilespmem:s18+$0x8220] =	vst v15  }
0x94: {  	v13 =	vmul.f32 v13, v54;
	[tilespmem:s18+$0x8230] =	vst v14  }
0x95: {  	v55 =	vbroadcast v0, $0x4;
	v10 =	vmul.f32 v10, v54;
	[tilespmem:s18+$0x8280] =	vst v12  }
0x96: {  	v11 =	vmul.f32 v11, v54;
	[tilespmem:s18+$0x8290] =	vst v13  }
0x97: {  	v8 =	vmul.f32 v8, v55;
	[tilespmem:s18+$0x82A0] =	vst v10  }
0x98: {  	v9 =	vmul.f32 v9, v55;
	[tilespmem:s18+$0x82B0] =	vst v11  }
0x99: {  	v60 =	vbroadcast v0, $0x5;
	v7 =	vmul.f32 v7, v55;
	[tilespmem:s18+$0x8300] =	vst v8  }
0x9a: {  	v6 =	vmul.f32 v6, v55;
	[tilespmem:s18+$0x8310] =	vst v9  }
0x9b: {  	v26 =	vld [tilespmem:s18+$0x410];
	v4 =	vmul.f32 v4, v60;
	[tilespmem:s18+$0x8320] =	vst v7  }
0x9c: {  	v27 =	vld [tilespmem:s18+$0x420];
	v5 =	vmul.f32 v5, v60;
	[tilespmem:s18+$0x8330] =	vst v6  }
0x9d: {  	v28 =	vld [tilespmem:s18+$0x430];
	v37 =	vbroadcast v0, $0x6;
	v3 =	vmul.f32 v3, v60;
	[tilespmem:s18+$0x8380] =	vst v4  }
0x9e: {  	v29 =	vld [tilespmem:s18+$0x480];
	v2 =	vmul.f32 v2, v60;
	[tilespmem:s18+$0x8390] =	vst v5  }
0x9f: {  	v31 =	vld [tilespmem:s18+$0x490];
	v1 =	vmul.f32 v1, v37;
	[tilespmem:s18+$0x83A0] =	vst v3  }
0xa0: {  	v32 =	vld [tilespmem:s18+$0x4A0];
	v26 =	vmul.f32 v26, v37;
	[tilespmem:s18+$0x83B0] =	vst v2  }
0xa1: {  	v33 =	vld [tilespmem:s18+$0x4B0];
	v42 =	vbroadcast v0, $0x7;
	v27 =	vmul.f32 v27, v37;
	[tilespmem:s18+$0x8400] =	vst v1  }
0xa2: {  	v34 =	vld [tilespmem:s18+$0x500];
	v28 =	vmul.f32 v28, v37;
	[tilespmem:s18+$0x8410] =	vst v26  }
0xa3: {  	v52 =	vld [tilespmem:s18+$0x510];
	v29 =	vmul.f32 v29, v42;
	[tilespmem:s18+$0x8420] =	vst v27  }
0xa4: {  	v56 =	vld [tilespmem:s18+$0x6B0];
	v45 =	vmul.f32 v31, v42;
	[tilespmem:s18+$0x8430] =	vst v28  }
0xa5: {  	v57 =	vld [tilespmem:s18+$0x700];
	v48 =	vbroadcast v0, $0x8;
	v47 =	vmul.f32 v32, v42;
	[tilespmem:s18+$0x8480] =	vst v29  }
0xa6: {  	v58 =	vld [tilespmem:s18+$0x710];
	v33 =	vmul.f32 v33, v42;
	[tilespmem:s18+$0x8490] =	vst v45  }
0xa7: {  	v59 =	vld [tilespmem:s18+$0x720];
	v50 =	vmul.f32 v34, v48;
	v54 =	vbroadcast v0, $0xB;
	[tilespmem:s18+$0x84A0] =	vst v47  }
0xa8: {  	v61 =	vld [tilespmem:s18+$0x730];
	v55 =	vbroadcast v0, $0xC;
	v24 =	vmul.f32 v52, v48;
	[tilespmem:s18+$0x84B0] =	vst v33  }
0xa9: {  	v62 =	vld [tilespmem:s18+$0x780];
	[tilespmem:s18+$0x8500] =	vst v50;
	v10 =	vmul.f32 v56, v54  }
0xaa: {  	v63 =	vld [tilespmem:s18+$0x790];
	v11 =	vmul.f32 v57, v55;
	[tilespmem:s18+$0x8510] =	vst v24  }
0xab: {  	v36 =	vld [tilespmem:s18+$0x7A0];
	v8 =	vmul.f32 v58, v55;
	[tilespmem:s18+$0x86B0] =	vst v10  }
0xac: {  	v38 =	vld [tilespmem:s18+$0x7B0];
	v56 =	vbroadcast v0, $0xD;
	v9 =	vmul.f32 v59, v55;
	[tilespmem:s18+$0x8700] =	vst v11  }
0xad: {  	v39 =	vld [tilespmem:s18+$0x800];
	v7 =	vmul.f32 v61, v55;
	[tilespmem:s18+$0x8710] =	vst v8  }
0xae: {  	v40 =	vld [tilespmem:s18+$0x810];
	v6 =	vmul.f32 v62, v56;
	[tilespmem:s18+$0x8720] =	vst v9  }
0xaf: {  	v41 =	vld [tilespmem:s18+$0x820];
	v4 =	vmul.f32 v63, v56;
	[tilespmem:s18+$0x8730] =	vst v7  }
0xb0: {  	v43 =	vld [tilespmem:s18+$0x830];
	v57 =	vbroadcast v0, $0xE;
	v5 =	vmul.f32 v36, v56;
	[tilespmem:s18+$0x8780] =	vst v6  }
0xb1: {  	v44 =	vld [tilespmem:s18+$0x880];
	v3 =	vmul.f32 v38, v56;
	[tilespmem:s18+$0x8790] =	vst v4  }
0xb2: {  	v46 =	vld [tilespmem:s18+$0x890];
	v2 =	vmul.f32 v39, v57;
	[tilespmem:s18+$0x87A0] =	vst v5  }
0xb3: {  	v49 =	vld [tilespmem:s18+$0x8A0];
	v1 =	vmul.f32 v40, v57;
	[tilespmem:s18+$0x87B0] =	vst v3  }
0xb4: {  	v51 =	vld [tilespmem:s18+$0x8B0];
	v58 =	vbroadcast v0, $0xF;
	v59 =	vmul.f32 v41, v57;
	[tilespmem:s18+$0x8800] =	vst v2  }
0xb5: {  	v25 =	vld [tilespmem:s18+$0x520];
	v60 =	vmul.f32 v43, v57;
	[tilespmem:s18+$0x8810] =	vst v1  }
0xb6: {  	v23 =	vld [tilespmem:s18+$0x530];
	v61 =	vmul.f32 v44, v58;
	[tilespmem:s18+$0x8820] =	vst v59  }
0xb7: {  	v22 =	vld [tilespmem:s18+$0x580];
	v62 =	vmul.f32 v46, v58;
	[tilespmem:s18+$0x8830] =	vst v60  }
0xb8: {  	v53 =	vbroadcast v0, $0xA;
	v20 =	vld [tilespmem:s18+$0x590];
	v63 =	vmul.f32 v49, v58;
	[tilespmem:s18+$0x8880] =	vst v61  }
0xb9: {  	v21 =	vld [tilespmem:s18+$0x5A0];
	v52 =	vbroadcast v0, $0x9;
	v0 =	vmul.f32 v51, v58;
	[tilespmem:s18+$0x8890] =	vst v62  }
0xba: {  	v19 =	vld [tilespmem:s18+$0x5B0];
	[tilespmem:s18+$0x88A0] =	vst v63;
	v25 =	vmul.f32 v25, v48  }
0xbb: {  	v18 =	vld [tilespmem:s18+$0x600];
	[tilespmem:s18+$0x88B0] =	vst v0;
	v23 =	vmul.f32 v23, v48  }
0xbc: {  	v16 =	vld [tilespmem:s18+$0x610];
	v22 =	vmul.f32 v22, v52;
	[tilespmem:s18+$0x8520] =	vst v25  }
0xbd: {  	v17 =	vld [tilespmem:s18+$0x620];
	v20 =	vmul.f32 v20, v52;
	[tilespmem:s18+$0x8530] =	vst v23  }
0xbe: {  	v15 =	vld [tilespmem:s18+$0x630];
	v21 =	vmul.f32 v21, v52;
	[tilespmem:s18+$0x8580] =	vst v22  }
0xbf: {  	v14 =	vld [tilespmem:s18+$0x680];
	v19 =	vmul.f32 v19, v52;
	[tilespmem:s18+$0x8590] =	vst v20  }
0xc0: {  	v12 =	vld [tilespmem:s18+$0x690];
	v18 =	vmul.f32 v18, v53;
	[tilespmem:s18+$0x85A0] =	vst v21  }
0xc1: {  	v13 =	vld [tilespmem:s18+$0x6A0];
	v16 =	vmul.f32 v16, v53;
	[tilespmem:s18+$0x85B0] =	vst v19  }
0xc2: {  	v17 =	vmul.f32 v17, v53;
	[tilespmem:s18+$0x8600] =	vst v18  }
0xc3: {  	v15 =	vmul.f32 v15, v53;
	[tilespmem:s18+$0x8610] =	vst v16  }
0xc4: {  	v14 =	vmul.f32 v14, v54;
	[tilespmem:s18+$0x8620] =	vst v17  }
0xc5: {  	v12 =	vmul.f32 v12, v54;
	[tilespmem:s18+$0x8630] =	vst v15  }
0xc6: {  	s16 =	sadd.s32 $0x1, s16;
	v13 =	vmul.f32 v13, v54;
	[tilespmem:s18+$0x8680] =	vst v14  }
0xc7: {  	s17 =	sshll.u32 s17, $0x4;
	p0 =	sne.s32 s16, $0x64;
	[tilespmem:s18+$0x8690] =	vst v12  }
.Ltmp1:
0xc8: {  	s17 =	sadd.s32 s6, s17;
	[tilespmem:s18+$0x86A0] =	vst v13;
	(pc) =	sbr.rel @p0 .LBB2_2-.Ltmp1, $4  }
0xc9: {  	[hbm4b:s17+s5] =	stream.linear.scatter [tilespmem:s14], [sflag:$0x2], $0x8000, $0x38;
	[tilespmem:$0x10200] =	vst v63  }
0xca: {  	_ =	swait.ge [sflag:s9], $0x8000  }
0xcb: {  	[sflag:s9] =	ssyncset.done $0x0  }
0xcc: {  	[sflag:s9] =	ssyncadd.s32 $0xFFFF8000  }
0xcd: {  	s15 =	sadd.s32 $0x1, s15  }
0xce: {  	p0 =	sne.s32 s15, s8  }
.Ltmp2:
0xcf: {  	_ = 	snop;
	(pc) =	sbr.rel @p0 .LBB2_1-.Ltmp2, $1  }
0xd0: {  	_ =	sdelay $0x3  }
0xd1: {  	_ =	sfence.sel $0x180000  }
0xd2: {  	[bflag:$0x0] =	sbarrier.arrive $0xFFFF  }
0xd3: {  	p0 =	sne.s32 s4, $0x0;
	_ =	strace $0x90000047  }
0xd4: {  	s0 =	sadd.s32 @!p0 $0x100000, s0;
	[bflag:$0x2] =	sbarrier.arrive $0xFFFF  }
0xd5: {  	[sflag:s0] =	ssyncadd.tile.s32 @!p0 $0x1;
	_ =	shalt  }
.Lfunc_end2:
_tile_overlayer_lowered:
.L_overlay_start_2:
0xd6: {  	(tag) =	ssettag $0x2  }
0xd7: {  	s0 =	rddreg [dreg:$0x0];
	s2 =	stileid.u32  }
0xd8: {  	s1 =	rddreg [dreg:$0x1];
	p0 =	sne.s32 s2, $0x0  }
0xd9: {  	s3 =	rddreg [dreg:$0x2];
	[bflag:$0x3] =	sbarrier.arrive $0xFFFF;
	s2 =	simm.s32 @!p0 $0x1C02  }
0xda: {  	[timem:s3], [sflag:s2] =	dma.local @!p0 [hbm:s0], s1  }
0xdb: {  	s0 =	simm.s32 @!p0 $0x2  }
0xdc: {  	_ =	swait.ge @!p0 [sflag:s0], s1  }
0xdd: {  	s1 =	ssub.s32 @!p0 $0x0, s1;
	[sflag:s0] =	ssyncset.done @!p0 $0x0  }
0xde: {  	[sflag:s0] =	ssyncadd.s32 @!p0 s1  }
0xdf: {  	[bflag:$0x3] =	sbarrier.arrive $0xFFFF  }
0xe0: {  	_ =	shalt  }

</sc_bundles>
